<compile_context>
chip_gen: v7x
topology: tpu7x:2x2x1
jax: 0.10.2.dev20260603
libtpu: 0.0.44.dev20260713+nightly
codegen_flags: <defaults>
</compile_context>

<pallas_src>
import functools

import jax
import jax.numpy as jnp
from jax import lax
from jax.experimental import pallas as pl
from jax.experimental.pallas import tpu as pltpu
from jax.experimental.pallas import tpu_sc as plsc

_GBUF = 128
_VBLK = 8192
_LANES = 16


def _tc_build_table(wt, at, bm, scaling):
    vocab = wt.shape[1]
    dim, rank = wt.shape[0], at.shape[0]
    grid = (vocab + _VBLK - 1) // _VBLK

    def body(wt_ref, at_ref, bm_ref, t_ref):
        ab_t = lax.dot_general(
            bm_ref[...], at_ref[...], (((0,), (0,)), ((), ())),
            preferred_element_type=jnp.float32)
        t_t = wt_ref[...] + ab_t * scaling
        t_ref[:, :dim] = t_t.T

    return pl.pallas_call(
        body,
        grid=(grid,),
        in_specs=[
            pl.BlockSpec((dim, _VBLK), lambda i: (0, i)),
            pl.BlockSpec((rank, _VBLK), lambda i: (0, i)),
            pl.BlockSpec((rank, dim), lambda i: (0, 0)),
        ],
        out_specs=pl.BlockSpec((_VBLK, 128), lambda i: (i, 0)),
        out_shape=jax.ShapeDtypeStruct((vocab, 128), jnp.float32),
    )(wt, at, bm)


def _sc_gather(n_tokens, n_seq, dim):
    info = plsc.get_sparse_core_info()
    nc, ns = info.num_cores, info.num_subcores
    nw = nc * ns
    batch = n_tokens // n_seq
    n_bblk = batch // _GBUF
    d_blks = dim // 8
    assert n_tokens % (nw * 2 * _GBUF) == 0
    tpw = n_tokens // nw
    n_pairs = tpw // (2 * _GBUF)
    cpw = tpw // _GBUF

    mesh = plsc.VectorSubcoreMesh(core_axis_name="c", subcore_axis_name="s")

    @functools.partial(
        pl.kernel,
        out_type=jax.ShapeDtypeStruct(
            (n_seq * d_blks * n_bblk, 8, _GBUF), jnp.float32),
        mesh=mesh,
        scratch_types=[
            pltpu.VMEM((tpw,), jnp.int32),
            pltpu.VMEM((_GBUF, 128), jnp.float32),
            pltpu.VMEM((_GBUF, 128), jnp.float32),
            pltpu.VMEM((dim, 129), jnp.float32),
            pltpu.VMEM((dim, 129), jnp.float32),
            pltpu.SemaphoreType.DMA,
            pltpu.SemaphoreType.DMA,
            pltpu.SemaphoreType.DMA,
            pltpu.SemaphoreType.DMA,
        ],
        compiler_params=pltpu.CompilerParams(
            use_tc_tiling_on_sc=False, needs_layout_passes=False),
    )
    def k(x_hbm, t_hbm, out_hbm, idx_v, r_v0, r_v1, p_v0, p_v1,
          sem_g0, sem_g1, sem_o0, sem_o1):
        wid = lax.axis_index("s") * nc + lax.axis_index("c")
        base = wid * tpw
        chunk0 = wid * cpw
        r_bufs = (r_v0, r_v1)
        p_bufs = (p_v0, p_v1)
        sems_g = (sem_g0, sem_g1)
        sems_o = (sem_o0, sem_o1)

        pltpu.sync_copy(x_hbm.at[pl.ds(base, tpw)], idx_v)

        l_iota = lax.iota(jnp.int32, _LANES)
        row_bases = [l_iota + 16 * m for m in range(dim // _LANES)]

        def gather(ci, buf):
            idx = idx_v.at[pl.ds(ci * _GBUF, _GBUF)]
            pltpu.async_copy(t_hbm.at[idx], r_bufs[buf], sems_g[buf])

        def gather_wait(buf):
            pltpu.make_async_copy(
                t_hbm.at[idx_v.at[pl.ds(0, _GBUF)]],
                r_bufs[buf], sems_g[buf]).wait()

        def stage_and_scatter(ci, buf):
            r_b, p_b = r_bufs[buf], p_bufs[buf]

            def tok_body(t, _):
                col = jnp.full((_LANES,), 0, jnp.int32) + t
                for m in range(dim // _LANES):
                    vec = r_b[t, pl.ds(m * _LANES, _LANES)]
                    plsc.store_scatter(p_b, [row_bases[m], col], vec)
                return 0

            lax.fori_loop(0, _GBUF, tok_body, 0, unroll=4)

            g = chunk0 + ci
            s_idx = g // n_bblk
            bblk = g % n_bblk
            for j in range(d_blks):
                tile = (s_idx * d_blks + j) * n_bblk + bblk
                pltpu.async_copy(
                    p_b.at[pl.ds(8 * j, 8), pl.ds(0, _GBUF)],
                    out_hbm.at[tile],
                    sems_o[buf])

        def scatter_wait(buf):
            for j in range(d_blks):
                pltpu.make_async_copy(
                    p_bufs[buf].at[pl.ds(8 * j, 8), pl.ds(0, _GBUF)],
                    out_hbm.at[0],
                    sems_o[buf]).wait()

        gather(0, 0)

        def pair_body(ci, _):
            even = 2 * ci

            @pl.when(ci > 0)
            def _():
                scatter_wait(1)
            gather(even + 1, 1)
            gather_wait(0)
            stage_and_scatter(even, 0)
            gather_wait(1)
            scatter_wait(0)

            @pl.when(ci < n_pairs - 1)
            def _():
                gather(even + 2, 0)
            stage_and_scatter(even + 1, 1)
            return 0

        lax.fori_loop(0, n_pairs, pair_body, 0)
        scatter_wait(1)

    return k


def kernel(x, W, A, Bm):
    batch, seq = x.shape
    vocab, dim = W.shape
    rank = A.shape[1]
    scaling = 16.0 / rank
    table = _tc_build_table(W.T, A.T, Bm, scaling)
    xf = x.T.reshape(-1).astype(jnp.int32)
    phys = _sc_gather(xf.shape[0], seq, dim)(xf, table)
    out = phys.reshape(seq, dim // 8, batch // 128, 8, 128)
    return out.transpose(2, 4, 0, 1, 3).reshape(batch, seq, dim)

# --- scband reference (transcript-rebuilt; emitter-appended) ---
"""Pipeline reference for scband-lo-raembedding-76587856822879 (READ-ONLY COPY).

The authoritative reference and input builder live on the scoring server;
editing this copy changes nothing except your own understanding.
"""

import jax, jax.numpy as jnp
import numpy as np

VOCAB = 1000000
DIM = 64
RANK = 16
ALPHA = 16.0
SCALING = ALPHA / RANK  # 1.0
BATCH = 16384
SEQ = 50


def setup_inputs(seed: int = 0) -> dict:
    key = jax.random.key(seed)
    k1, k2, k3, k4 = jax.random.split(key, 4)
    x = jax.random.randint(k1, (BATCH, SEQ), 0, VOCAB)
    W = jax.random.normal(k2, (VOCAB, DIM), dtype=jnp.float32) * 0.02
    A = jax.random.normal(k3, (VOCAB, RANK), dtype=jnp.float32) * 0.02
    Bm = jax.random.normal(k4, (RANK, DIM), dtype=jnp.float32)
    return {"x": x, "W": W, "A": A, "Bm": Bm}


def reference(x, W, A, Bm):
    # base embedding lookup
    result = jnp.take(W, x, axis=0)              # [B, L, DIM]
    # LoRA path: A[x] @ B * scaling
    after_A = jnp.take(A, x, axis=0)             # [B, L, RANK]
    lora_out = after_A @ Bm                      # [B, L, DIM]
    return result + lora_out * SCALING

if __name__ == "__main__":
    import jax
    _d = setup_inputs()
    print(jax.jit(kernel)(*tuple(_d.values())))

</pallas_src>

<mosaic_0001>
#map = affine_map<(d0, d1) -> (0)>
#map1 = affine_map<(d0, d1) -> (0, 0)>
#map2 = affine_map<(d0, d1) -> (0, 0, 0)>
module attributes {stable_mosaic.version = 14 : i64} {
  func.func @k(%arg0: i32, %arg1: i32, %arg2: memref<819200xi32, #tpu.memory_space<hbm>>, %arg3: memref<1000000x128xf32, #tpu.memory_space<hbm>>, %arg4: memref<51200x8x128xf32, #tpu.memory_space<hbm>>, %arg5: memref<25600xi32, #tpu.memory_space<vmem>>, %arg6: memref<128x128xf32, #tpu.memory_space<vmem>>, %arg7: memref<128x128xf32, #tpu.memory_space<vmem>>, %arg8: memref<64x129xf32, #tpu.memory_space<vmem>>, %arg9: memref<64x129xf32, #tpu.memory_space<vmem>>, %arg10: memref<!tpu.dma_semaphore, #tpu.memory_space<semaphore_mem>>, %arg11: memref<!tpu.dma_semaphore, #tpu.memory_space<semaphore_mem>>, %arg12: memref<!tpu.dma_semaphore, #tpu.memory_space<semaphore_mem>>, %arg13: memref<!tpu.dma_semaphore, #tpu.memory_space<semaphore_mem>>) attributes {dimension_semantics = [#tpu.dimension_semantics<core_parallel>, #tpu.dimension_semantics<subcore_parallel>], iteration_bounds = array<i64: 2, 16>, scalar_prefetch = 0 : i64, scratch_operands = 9 : i64, tpu.core_type = #tpu.core_type<sc_vector_subcore>, window_params = [{transform_indices = #map}, {transform_indices = #map1}, {transform_indices = #map2}]} {
    %mul3A = arith.constant 2 : i32
    %mul3A_0 = arith.muli %arg1, %mul3A : i32
    %add3A = arith.addi %mul3A_0, %arg0 : i32
    %mul3A_1 = arith.constant 25600 : i32
    %mul3A_2 = arith.muli %add3A, %mul3A_1 : i32
    %mul3A_3 = arith.constant 200 : i32
    %mul3A_4 = arith.muli %add3A, %mul3A_3 : i32
    "tpu.region"() ({
      %run_scoped3A = tpu.sem_alloc : memref<!tpu.dma_semaphore, #tpu.memory_space<semaphore_mem>>
      %dma_start3A_146 = tpu.memref_slice %arg2[%mul3A_2] : memref<819200xi32, #tpu.memory_space<hbm>> -> memref<25600xi32, #tpu.memory_space<hbm>>
      %dma_start3A_147 = tpu.memref_slice %arg2[%mul3A_2] : memref<819200xi32, #tpu.memory_space<hbm>> -> memref<25600xi32, #tpu.memory_space<hbm>>
      tpu.enqueue_dma source(%dma_start3A_147 : memref<25600xi32, #tpu.memory_space<hbm>>) target(%arg5 : memref<25600xi32, #tpu.memory_space<vmem>>) target_semaphore(%run_scoped3A : memref<!tpu.dma_semaphore, #tpu.memory_space<semaphore_mem>>)
      %dma_wait3A_148 = tpu.memref_slice %arg2[%mul3A_2] : memref<819200xi32, #tpu.memory_space<hbm>> -> memref<25600xi32, #tpu.memory_space<hbm>>
      %dma_wait3A_149 = tpu.memref_slice %arg2[%mul3A_2] : memref<819200xi32, #tpu.memory_space<hbm>> -> memref<25600xi32, #tpu.memory_space<hbm>>
      tpu.wait_dma2 semaphore(%run_scoped3A : memref<!tpu.dma_semaphore, #tpu.memory_space<semaphore_mem>>) src(%dma_wait3A_149 : memref<25600xi32, #tpu.memory_space<hbm>>) dst(%arg5 : memref<25600xi32, #tpu.memory_space<vmem>>)
      tpu.yield
    }) : () -> ()
    %iota3A = tpu.iota {dimensions = array<i32: 0>} : vector<16xi32>
    %add3A_5 = arith.constant 0 : i32
    %add3A_6 = vector.broadcast %add3A_5 : i32 to vector<16xi32>
    %add3A_7 = arith.addi %iota3A, %add3A_6 : vector<16xi32>
    %add3A_8 = arith.constant 16 : i32
    %add3A_9 = vector.broadcast %add3A_8 : i32 to vector<16xi32>
    %add3A_10 = arith.addi %iota3A, %add3A_9 : vector<16xi32>
    %add3A_11 = arith.constant 32 : i32
    %add3A_12 = vector.broadcast %add3A_11 : i32 to vector<16xi32>
    %add3A_13 = arith.addi %iota3A, %add3A_12 : vector<16xi32>
    %add3A_14 = arith.constant 48 : i32
    %add3A_15 = vector.broadcast %add3A_14 : i32 to vector<16xi32>
    %add3A_16 = arith.addi %iota3A, %add3A_15 : vector<16xi32>
    %dma_start3A = arith.constant 0 : i32
    %dma_start3A_17 = tpu.memref_slice %arg5[%dma_start3A] : memref<25600xi32, #tpu.memory_space<vmem>> -> memref<128xi32, #tpu.memory_space<vmem>>
    %dma_start3A_18 = arith.constant 0 : i32
    %dma_start3A_19 = arith.constant 0 : i32
    %dma_start3A_20 = tpu.memref_slice %arg3[%dma_start3A_18, %dma_start3A_19] : memref<1000000x128xf32, #tpu.memory_space<hbm>> -> memref<1000000x128xf32, #tpu.memory_space<hbm>>
    tpu.enqueue_indirect_dma source(%dma_start3A_20 : memref<1000000x128xf32, #tpu.memory_space<hbm>>) target(%arg6 : memref<128x128xf32, #tpu.memory_space<vmem>>) offsets(%dma_start3A_17 : memref<128xi32, #tpu.memory_space<vmem>>) semaphore(%arg10 : memref<!tpu.dma_semaphore, #tpu.memory_space<semaphore_mem>>)
    %scan3A = arith.constant 0 : i32
    %scan3A_21 = arith.constant 0 : i32
    %scan3A_22 = arith.constant 100 : i32
    %scan3A_23 = arith.addi %scan3A_21, %scan3A_22 : i32
    %scan3A_24 = arith.constant 1 : i32
    %scan3A_25 = scf.for %scan3A_146 = %scan3A_21 to %scan3A_23 step %scan3A_24 iter_args(%scan3A_147 = %scan3A) -> (i32)  : i32 {
      %mul3A_148 = arith.constant 2 : i32
      %mul3A_149 = arith.muli %mul3A_148, %scan3A_146 : i32
      %gt3A = arith.constant 0 : i32
      %gt3A_150 = arith.cmpi sgt, %scan3A_146, %gt3A : i32
      %convert_element_type3A = arith.extui %gt3A_150 : i1 to i32
      %cond3A = arith.constant 0 : i32
      %cond3A_151 = arith.cmpi ne, %convert_element_type3A, %cond3A : i32
      scf.if %cond3A_151 {
        %dma_wait3A_720 = arith.constant 0 : i32
        %dma_wait3A_721 = arith.constant 0 : i32
        %dma_wait3A_722 = arith.constant 0 : i32
        %dma_wait3A_723 = tpu.memref_slice %arg9[%dma_wait3A_721, %dma_wait3A_722] : memref<64x129xf32, #tpu.memory_space<vmem>> -> memref<8x128xf32, #tpu.memory_space<vmem>>
        %dma_wait3A_724 = arith.constant 0 : i32
        %dma_wait3A_725 = arith.constant 0 : i32
        %dma_wait3A_726 = tpu.memref_slice %arg4[%dma_wait3A_720, %dma_wait3A_724, %dma_wait3A_725] : memref<51200x8x128xf32, #tpu.memory_space<hbm>> -> memref<1x8x128xf32, #tpu.memory_space<hbm>>
        %dma_wait3A_727 = tpu.memref_squeeze %dma_wait3A_726 : memref<1x8x128xf32, #tpu.memory_space<hbm>> -> memref<8x128xf32, #tpu.memory_space<hbm>>
        %dma_wait3A_728 = arith.constant 0 : i32
        %dma_wait3A_729 = arith.constant 0 : i32
        %dma_wait3A_730 = tpu.memref_slice %arg4[%dma_wait3A_720, %dma_wait3A_728, %dma_wait3A_729] : memref<51200x8x128xf32, #tpu.memory_space<hbm>> -> memref<1x8x128xf32, #tpu.memory_space<hbm>>
        %dma_wait3A_731 = tpu.memref_squeeze %dma_wait3A_730 : memref<1x8x128xf32, #tpu.memory_space<hbm>> -> memref<8x128xf32, #tpu.memory_space<hbm>>
        %dma_wait3A_732 = arith.constant 0 : i32
        %dma_wait3A_733 = arith.constant 0 : i32
        %dma_wait3A_734 = tpu.memref_slice %arg9[%dma_wait3A_732, %dma_wait3A_733] : memref<64x129xf32, #tpu.memory_space<vmem>> -> memref<8x128xf32, #tpu.memory_space<vmem>>
        tpu.wait_dma2 semaphore(%arg13 : memref<!tpu.dma_semaphore, #tpu.memory_space<semaphore_mem>>) src(%dma_wait3A_734 : memref<8x128xf32, #tpu.memory_space<vmem>>) dst(%dma_wait3A_731 : memref<8x128xf32, #tpu.memory_space<hbm>>)
        %dma_wait3A_735 = arith.constant 0 : i32
        %dma_wait3A_736 = arith.constant 8 : i32
        %dma_wait3A_737 = arith.constant 0 : i32
        %dma_wait3A_738 = tpu.memref_slice %arg9[%dma_wait3A_736, %dma_wait3A_737] : memref<64x129xf32, #tpu.memory_space<vmem>> -> memref<8x128xf32, #tpu.memory_space<vmem>>
        %dma_wait3A_739 = arith.constant 0 : i32
        %dma_wait3A_740 = arith.constant 0 : i32
        %dma_wait3A_741 = tpu.memref_slice %arg4[%dma_wait3A_735, %dma_wait3A_739, %dma_wait3A_740] : memref<51200x8x128xf32, #tpu.memory_space<hbm>> -> memref<1x8x128xf32, #tpu.memory_space<hbm>>
        %dma_wait3A_742 = tpu.memref_squeeze %dma_wait3A_741 : memref<1x8x128xf32, #tpu.memory_space<hbm>> -> memref<8x128xf32, #tpu.memory_space<hbm>>
        %dma_wait3A_743 = arith.constant 0 : i32
        %dma_wait3A_744 = arith.constant 0 : i32
        %dma_wait3A_745 = tpu.memref_slice %arg4[%dma_wait3A_735, %dma_wait3A_743, %dma_wait3A_744] : memref<51200x8x128xf32, #tpu.memory_space<hbm>> -> memref<1x8x128xf32, #tpu.memory_space<hbm>>
        %dma_wait3A_746 = tpu.memref_squeeze %dma_wait3A_745 : memref<1x8x128xf32, #tpu.memory_space<hbm>> -> memref<8x128xf32, #tpu.memory_space<hbm>>
        %dma_wait3A_747 = arith.constant 8 : i32
        %dma_wait3A_748 = arith.constant 0 : i32
        %dma_wait3A_749 = tpu.memref_slice %arg9[%dma_wait3A_747, %dma_wait3A_748] : memref<64x129xf32, #tpu.memory_space<vmem>> -> memref<8x128xf32, #tpu.memory_space<vmem>>
        tpu.wait_dma2 semaphore(%arg13 : memref<!tpu.dma_semaphore, #tpu.memory_space<semaphore_mem>>) src(%dma_wait3A_749 : memref<8x128xf32, #tpu.memory_space<vmem>>) dst(%dma_wait3A_746 : memref<8x128xf32, #tpu.memory_space<hbm>>)
        %dma_wait3A_750 = arith.constant 0 : i32
        %dma_wait3A_751 = arith.constant 16 : i32
        %dma_wait3A_752 = arith.constant 0 : i32
        %dma_wait3A_753 = tpu.memref_slice %arg9[%dma_wait3A_751, %dma_wait3A_752] : memref<64x129xf32, #tpu.memory_space<vmem>> -> memref<8x128xf32, #tpu.memory_space<vmem>>
        %dma_wait3A_754 = arith.constant 0 : i32
        %dma_wait3A_755 = arith.constant 0 : i32
        %dma_wait3A_756 = tpu.memref_slice %arg4[%dma_wait3A_750, %dma_wait3A_754, %dma_wait3A_755] : memref<51200x8x128xf32, #tpu.memory_space<hbm>> -> memref<1x8x128xf32, #tpu.memory_space<hbm>>
        %dma_wait3A_757 = tpu.memref_squeeze %dma_wait3A_756 : memref<1x8x128xf32, #tpu.memory_space<hbm>> -> memref<8x128xf32, #tpu.memory_space<hbm>>
        %dma_wait3A_758 = arith.constant 0 : i32
        %dma_wait3A_759 = arith.constant 0 : i32
        %dma_wait3A_760 = tpu.memref_slice %arg4[%dma_wait3A_750, %dma_wait3A_758, %dma_wait3A_759] : memref<51200x8x128xf32, #tpu.memory_space<hbm>> -> memref<1x8x128xf32, #tpu.memory_space<hbm>>
        %dma_wait3A_761 = tpu.memref_squeeze %dma_wait3A_760 : memref<1x8x128xf32, #tpu.memory_space<hbm>> -> memref<8x128xf32, #tpu.memory_space<hbm>>
        %dma_wait3A_762 = arith.constant 16 : i32
        %dma_wait3A_763 = arith.constant 0 : i32
        %dma_wait3A_764 = tpu.memref_slice %arg9[%dma_wait3A_762, %dma_wait3A_763] : memref<64x129xf32, #tpu.memory_space<vmem>> -> memref<8x128xf32, #tpu.memory_space<vmem>>
        tpu.wait_dma2 semaphore(%arg13 : memref<!tpu.dma_semaphore, #tpu.memory_space<semaphore_mem>>) src(%dma_wait3A_764 : memref<8x128xf32, #tpu.memory_space<vmem>>) dst(%dma_wait3A_761 : memref<8x128xf32, #tpu.memory_space<hbm>>)
        %dma_wait3A_765 = arith.constant 0 : i32
        %dma_wait3A_766 = arith.constant 24 : i32
        %dma_wait3A_767 = arith.constant 0 : i32
        %dma_wait3A_768 = tpu.memref_slice %arg9[%dma_wait3A_766, %dma_wait3A_767] : memref<64x129xf32, #tpu.memory_space<vmem>> -> memref<8x128xf32, #tpu.memory_space<vmem>>
        %dma_wait3A_769 = arith.constant 0 : i32
        %dma_wait3A_770 = arith.constant 0 : i32
        %dma_wait3A_771 = tpu.memref_slice %arg4[%dma_wait3A_765, %dma_wait3A_769, %dma_wait3A_770] : memref<51200x8x128xf32, #tpu.memory_space<hbm>> -> memref<1x8x128xf32, #tpu.memory_space<hbm>>
        %dma_wait3A_772 = tpu.memref_squeeze %dma_wait3A_771 : memref<1x8x128xf32, #tpu.memory_space<hbm>> -> memref<8x128xf32, #tpu.memory_space<hbm>>
        %dma_wait3A_773 = arith.constant 0 : i32
        %dma_wait3A_774 = arith.constant 0 : i32
        %dma_wait3A_775 = tpu.memref_slice %arg4[%dma_wait3A_765, %dma_wait3A_773, %dma_wait3A_774] : memref<51200x8x128xf32, #tpu.memory_space<hbm>> -> memref<1x8x128xf32, #tpu.memory_space<hbm>>
        %dma_wait3A_776 = tpu.memref_squeeze %dma_wait3A_775 : memref<1x8x128xf32, #tpu.memory_space<hbm>> -> memref<8x128xf32, #tpu.memory_space<hbm>>
        %dma_wait3A_777 = arith.constant 24 : i32
        %dma_wait3A_778 = arith.constant 0 : i32
        %dma_wait3A_779 = tpu.memref_slice %arg9[%dma_wait3A_777, %dma_wait3A_778] : memref<64x129xf32, #tpu.memory_space<vmem>> -> memref<8x128xf32, #tpu.memory_space<vmem>>
        tpu.wait_dma2 semaphore(%arg13 : memref<!tpu.dma_semaphore, #tpu.memory_space<semaphore_mem>>) src(%dma_wait3A_779 : memref<8x128xf32, #tpu.memory_space<vmem>>) dst(%dma_wait3A_776 : memref<8x128xf32, #tpu.memory_space<hbm>>)
        %dma_wait3A_780 = arith.constant 0 : i32
        %dma_wait3A_781 = arith.constant 32 : i32
        %dma_wait3A_782 = arith.constant 0 : i32
        %dma_wait3A_783 = tpu.memref_slice %arg9[%dma_wait3A_781, %dma_wait3A_782] : memref<64x129xf32, #tpu.memory_space<vmem>> -> memref<8x128xf32, #tpu.memory_space<vmem>>
        %dma_wait3A_784 = arith.constant 0 : i32
        %dma_wait3A_785 = arith.constant 0 : i32
        %dma_wait3A_786 = tpu.memref_slice %arg4[%dma_wait3A_780, %dma_wait3A_784, %dma_wait3A_785] : memref<51200x8x128xf32, #tpu.memory_space<hbm>> -> memref<1x8x128xf32, #tpu.memory_space<hbm>>
        %dma_wait3A_787 = tpu.memref_squeeze %dma_wait3A_786 : memref<1x8x128xf32, #tpu.memory_space<hbm>> -> memref<8x128xf32, #tpu.memory_space<hbm>>
        %dma_wait3A_788 = arith.constant 0 : i32
        %dma_wait3A_789 = arith.constant 0 : i32
        %dma_wait3A_790 = tpu.memref_slice %arg4[%dma_wait3A_780, %dma_wait3A_788, %dma_wait3A_789] : memref<51200x8x128xf32, #tpu.memory_space<hbm>> -> memref<1x8x128xf32, #tpu.memory_space<hbm>>
        %dma_wait3A_791 = tpu.memref_squeeze %dma_wait3A_790 : memref<1x8x128xf32, #tpu.memory_space<hbm>> -> memref<8x128xf32, #tpu.memory_space<hbm>>
        %dma_wait3A_792 = arith.constant 32 : i32
        %dma_wait3A_793 = arith.constant 0 : i32
        %dma_wait3A_794 = tpu.memref_slice %arg9[%dma_wait3A_792, %dma_wait3A_793] : memref<64x129xf32, #tpu.memory_space<vmem>> -> memref<8x128xf32, #tpu.memory_space<vmem>>
        tpu.wait_dma2 semaphore(%arg13 : memref<!tpu.dma_semaphore, #tpu.memory_space<semaphore_mem>>) src(%dma_wait3A_794 : memref<8x128xf32, #tpu.memory_space<vmem>>) dst(%dma_wait3A_791 : memref<8x128xf32, #tpu.memory_space<hbm>>)
        %dma_wait3A_795 = arith.constant 0 : i32
        %dma_wait3A_796 = arith.constant 40 : i32
        %dma_wait3A_797 = arith.constant 0 : i32
        %dma_wait3A_798 = tpu.memref_slice %arg9[%dma_wait3A_796, %dma_wait3A_797] : memref<64x129xf32, #tpu.memory_space<vmem>> -> memref<8x128xf32, #tpu.memory_space<vmem>>
        %dma_wait3A_799 = arith.constant 0 : i32
        %dma_wait3A_800 = arith.constant 0 : i32
        %dma_wait3A_801 = tpu.memref_slice %arg4[%dma_wait3A_795, %dma_wait3A_799, %dma_wait3A_800] : memref<51200x8x128xf32, #tpu.memory_space<hbm>> -> memref<1x8x128xf32, #tpu.memory_space<hbm>>
        %dma_wait3A_802 = tpu.memref_squeeze %dma_wait3A_801 : memref<1x8x128xf32, #tpu.memory_space<hbm>> -> memref<8x128xf32, #tpu.memory_space<hbm>>
        %dma_wait3A_803 = arith.constant 0 : i32
        %dma_wait3A_804 = arith.constant 0 : i32
        %dma_wait3A_805 = tpu.memref_slice %arg4[%dma_wait3A_795, %dma_wait3A_803, %dma_wait3A_804] : memref<51200x8x128xf32, #tpu.memory_space<hbm>> -> memref<1x8x128xf32, #tpu.memory_space<hbm>>
        %dma_wait3A_806 = tpu.memref_squeeze %dma_wait3A_805 : memref<1x8x128xf32, #tpu.memory_space<hbm>> -> memref<8x128xf32, #tpu.memory_space<hbm>>
        %dma_wait3A_807 = arith.constant 40 : i32
        %dma_wait3A_808 = arith.constant 0 : i32
        %dma_wait3A_809 = tpu.memref_slice %arg9[%dma_wait3A_807, %dma_wait3A_808] : memref<64x129xf32, #tpu.memory_space<vmem>> -> memref<8x128xf32, #tpu.memory_space<vmem>>
        tpu.wait_dma2 semaphore(%arg13 : memref<!tpu.dma_semaphore, #tpu.memory_space<semaphore_mem>>) src(%dma_wait3A_809 : memref<8x128xf32, #tpu.memory_space<vmem>>) dst(%dma_wait3A_806 : memref<8x128xf32, #tpu.memory_space<hbm>>)
        %dma_wait3A_810 = arith.constant 0 : i32
        %dma_wait3A_811 = arith.constant 48 : i32
        %dma_wait3A_812 = arith.constant 0 : i32
        %dma_wait3A_813 = tpu.memref_slice %arg9[%dma_wait3A_811, %dma_wait3A_812] : memref<64x129xf32, #tpu.memory_space<vmem>> -> memref<8x128xf32, #tpu.memory_space<vmem>>
        %dma_wait3A_814 = arith.constant 0 : i32
        %dma_wait3A_815 = arith.constant 0 : i32
        %dma_wait3A_816 = tpu.memref_slice %arg4[%dma_wait3A_810, %dma_wait3A_814, %dma_wait3A_815] : memref<51200x8x128xf32, #tpu.memory_space<hbm>> -> memref<1x8x128xf32, #tpu.memory_space<hbm>>
        %dma_wait3A_817 = tpu.memref_squeeze %dma_wait3A_816 : memref<1x8x128xf32, #tpu.memory_space<hbm>> -> memref<8x128xf32, #tpu.memory_space<hbm>>
        %dma_wait3A_818 = arith.constant 0 : i32
        %dma_wait3A_819 = arith.constant 0 : i32
        %dma_wait3A_820 = tpu.memref_slice %arg4[%dma_wait3A_810, %dma_wait3A_818, %dma_wait3A_819] : memref<51200x8x128xf32, #tpu.memory_space<hbm>> -> memref<1x8x128xf32, #tpu.memory_space<hbm>>
        %dma_wait3A_821 = tpu.memref_squeeze %dma_wait3A_820 : memref<1x8x128xf32, #tpu.memory_space<hbm>> -> memref<8x128xf32, #tpu.memory_space<hbm>>
        %dma_wait3A_822 = arith.constant 48 : i32
        %dma_wait3A_823 = arith.constant 0 : i32
        %dma_wait3A_824 = tpu.memref_slice %arg9[%dma_wait3A_822, %dma_wait3A_823] : memref<64x129xf32, #tpu.memory_space<vmem>> -> memref<8x128xf32, #tpu.memory_space<vmem>>
        tpu.wait_dma2 semaphore(%arg13 : memref<!tpu.dma_semaphore, #tpu.memory_space<semaphore_mem>>) src(%dma_wait3A_824 : memref<8x128xf32, #tpu.memory_space<vmem>>) dst(%dma_wait3A_821 : memref<8x128xf32, #tpu.memory_space<hbm>>)
        %dma_wait3A_825 = arith.constant 0 : i32
        %dma_wait3A_826 = arith.constant 56 : i32
        %dma_wait3A_827 = arith.constant 0 : i32
        %dma_wait3A_828 = tpu.memref_slice %arg9[%dma_wait3A_826, %dma_wait3A_827] : memref<64x129xf32, #tpu.memory_space<vmem>> -> memref<8x128xf32, #tpu.memory_space<vmem>>
        %dma_wait3A_829 = arith.constant 0 : i32
        %dma_wait3A_830 = arith.constant 0 : i32
        %dma_wait3A_831 = tpu.memref_slice %arg4[%dma_wait3A_825, %dma_wait3A_829, %dma_wait3A_830] : memref<51200x8x128xf32, #tpu.memory_space<hbm>> -> memref<1x8x128xf32, #tpu.memory_space<hbm>>
        %dma_wait3A_832 = tpu.memref_squeeze %dma_wait3A_831 : memref<1x8x128xf32, #tpu.memory_space<hbm>> -> memref<8x128xf32, #tpu.memory_space<hbm>>
        %dma_wait3A_833 = arith.constant 0 : i32
        %dma_wait3A_834 = arith.constant 0 : i32
        %dma_wait3A_835 = tpu.memref_slice %arg4[%dma_wait3A_825, %dma_wait3A_833, %dma_wait3A_834] : memref<51200x8x128xf32, #tpu.memory_space<hbm>> -> memref<1x8x128xf32, #tpu.memory_space<hbm>>
        %dma_wait3A_836 = tpu.memref_squeeze %dma_wait3A_835 : memref<1x8x128xf32, #tpu.memory_space<hbm>> -> memref<8x128xf32, #tpu.memory_space<hbm>>
        %dma_wait3A_837 = arith.constant 56 : i32
        %dma_wait3A_838 = arith.constant 0 : i32
        %dma_wait3A_839 = tpu.memref_slice %arg9[%dma_wait3A_837, %dma_wait3A_838] : memref<64x129xf32, #tpu.memory_space<vmem>> -> memref<8x128xf32, #tpu.memory_space<vmem>>
        tpu.wait_dma2 semaphore(%arg13 : memref<!tpu.dma_semaphore, #tpu.memory_space<semaphore_mem>>) src(%dma_wait3A_839 : memref<8x128xf32, #tpu.memory_space<vmem>>) dst(%dma_wait3A_836 : memref<8x128xf32, #tpu.memory_space<hbm>>)
      } else {
      }
      %add3A_152 = arith.constant 1 : i32
      %add3A_153 = arith.addi %mul3A_149, %add3A_152 : i32
      %mul3A_154 = arith.constant 128 : i32
      %mul3A_155 = arith.muli %add3A_153, %mul3A_154 : i32
      %dma_start3A_156 = tpu.memref_slice %arg5[%mul3A_155] : memref<25600xi32, #tpu.memory_space<vmem>> -> memref<128xi32, #tpu.memory_space<vmem>>
      %dma_start3A_157 = arith.constant 0 : i32
      %dma_start3A_158 = arith.constant 0 : i32
      %dma_start3A_159 = tpu.memref_slice %arg3[%dma_start3A_157, %dma_start3A_158] : memref<1000000x128xf32, #tpu.memory_space<hbm>> -> memref<1000000x128xf32, #tpu.memory_space<hbm>>
      tpu.enqueue_indirect_dma source(%dma_start3A_159 : memref<1000000x128xf32, #tpu.memory_space<hbm>>) target(%arg7 : memref<128x128xf32, #tpu.memory_space<vmem>>) offsets(%dma_start3A_156 : memref<128xi32, #tpu.memory_space<vmem>>) semaphore(%arg11 : memref<!tpu.dma_semaphore, #tpu.memory_space<semaphore_mem>>)
      %dma_wait3A_160 = arith.constant 0 : i32
      %dma_wait3A_161 = tpu.memref_slice %arg5[%dma_wait3A_160] : memref<25600xi32, #tpu.memory_space<vmem>> -> memref<128xi32, #tpu.memory_space<vmem>>
      %dma_wait3A_162 = arith.constant 0 : i32
      %dma_wait3A_163 = arith.constant 0 : i32
      %dma_wait3A_164 = tpu.memref_slice %arg3[%dma_wait3A_162, %dma_wait3A_163] : memref<1000000x128xf32, #tpu.memory_space<hbm>> -> memref<1000000x128xf32, #tpu.memory_space<hbm>>
      tpu.wait_indirect_dma semaphore(%arg10 : memref<!tpu.dma_semaphore, #tpu.memory_space<semaphore_mem>>) src(%dma_wait3A_164 : memref<1000000x128xf32, #tpu.memory_space<hbm>>) dst(%arg6 : memref<128x128xf32, #tpu.memory_space<vmem>>)
      %scan3A_165 = arith.constant 0 : i32
      %scan3A_166 = arith.constant 0 : i32
      %scan3A_167 = arith.constant 128 : i32
      %scan3A_168 = arith.addi %scan3A_166, %scan3A_167 : i32
      %scan3A_169 = arith.constant 4 : i32
      %scan3A_170 = scf.for %scan3A_720 = %scan3A_166 to %scan3A_168 step %scan3A_169 iter_args(%scan3A_721 = %scan3A_165) -> (i32)  : i32 {
        %broadcast_in_dim3A = arith.constant 0 : i32
        %broadcast_in_dim3A_722 = vector.broadcast %broadcast_in_dim3A : i32 to vector<16xi32>
        %add3A_723 = vector.broadcast %scan3A_720 : i32 to vector<16xi32>
        %add3A_724 = arith.addi %broadcast_in_dim3A_722, %add3A_723 : vector<16xi32>
        %get3A = arith.index_cast %scan3A_720 : i32 to index
        %get3A_725 = arith.constant 0 : index
        %get3A_726 = tpu.vector_load %arg6[%get3A, %get3A_725] {strides = array<i32>} : memref<128x128xf32, #tpu.memory_space<vmem>>, vector<16xf32>,
        tpu.vector_store_idx %arg8[%add3A_7, %add3A_724], %get3A_726 : memref<64x129xf32, #tpu.memory_space<vmem>>[vector<16xi32>, vector<16xi32>], vector<16xf32>,
        %get3A_727 = arith.index_cast %scan3A_720 : i32 to index
        %get3A_728 = arith.constant 16 : index
        %get3A_729 = tpu.vector_load %arg6[%get3A_727, %get3A_728] {strides = array<i32>} : memref<128x128xf32, #tpu.memory_space<vmem>>, vector<16xf32>,
        tpu.vector_store_idx %arg8[%add3A_10, %add3A_724], %get3A_729 : memref<64x129xf32, #tpu.memory_space<vmem>>[vector<16xi32>, vector<16xi32>], vector<16xf32>,
        %get3A_730 = arith.index_cast %scan3A_720 : i32 to index
        %get3A_731 = arith.constant 32 : index
        %get3A_732 = tpu.vector_load %arg6[%get3A_730, %get3A_731] {strides = array<i32>} : memref<128x128xf32, #tpu.memory_space<vmem>>, vector<16xf32>,
        tpu.vector_store_idx %arg8[%add3A_13, %add3A_724], %get3A_732 : memref<64x129xf32, #tpu.memory_space<vmem>>[vector<16xi32>, vector<16xi32>], vector<16xf32>,
        %get3A_733 = arith.index_cast %scan3A_720 : i32 to index
        %get3A_734 = arith.constant 48 : index
        %get3A_735 = tpu.vector_load %arg6[%get3A_733, %get3A_734] {strides = array<i32>} : memref<128x128xf32, #tpu.memory_space<vmem>>, vector<16xf32>,
        tpu.vector_store_idx %arg8[%add3A_16, %add3A_724], %get3A_735 : memref<64x129xf32, #tpu.memory_space<vmem>>[vector<16xi32>, vector<16xi32>], vector<16xf32>,
        %scan3A_736 = arith.constant 0 : i32
        %scan3A_737 = arith.constant 1 : i32
        %scan3A_738 = arith.addi %scan3A_720, %scan3A_737 : i32
        %broadcast_in_dim3A_739 = arith.constant 0 : i32
        %broadcast_in_dim3A_740 = vector.broadcast %broadcast_in_dim3A_739 : i32 to vector<16xi32>
        %add3A_741 = vector.broadcast %scan3A_738 : i32 to vector<16xi32>
        %add3A_742 = arith.addi %broadcast_in_dim3A_740, %add3A_741 : vector<16xi32>
        %get3A_743 = arith.index_cast %scan3A_738 : i32 to index
        %get3A_744 = arith.constant 0 : index
        %get3A_745 = tpu.vector_load %arg6[%get3A_743, %get3A_744] {strides = array<i32>} : memref<128x128xf32, #tpu.memory_space<vmem>>, vector<16xf32>,
        tpu.vector_store_idx %arg8[%add3A_7, %add3A_742], %get3A_745 : memref<64x129xf32, #tpu.memory_space<vmem>>[vector<16xi32>, vector<16xi32>], vector<16xf32>,
        %get3A_746 = arith.index_cast %scan3A_738 : i32 to index
        %get3A_747 = arith.constant 16 : index
        %get3A_748 = tpu.vector_load %arg6[%get3A_746, %get3A_747] {strides = array<i32>} : memref<128x128xf32, #tpu.memory_space<vmem>>, vector<16xf32>,
        tpu.vector_store_idx %arg8[%add3A_10, %add3A_742], %get3A_748 : memref<64x129xf32, #tpu.memory_space<vmem>>[vector<16xi32>, vector<16xi32>], vector<16xf32>,
        %get3A_749 = arith.index_cast %scan3A_738 : i32 to index
        %get3A_750 = arith.constant 32 : index
        %get3A_751 = tpu.vector_load %arg6[%get3A_749, %get3A_750] {strides = array<i32>} : memref<128x128xf32, #tpu.memory_space<vmem>>, vector<16xf32>,
        tpu.vector_store_idx %arg8[%add3A_13, %add3A_742], %get3A_751 : memref<64x129xf32, #tpu.memory_space<vmem>>[vector<16xi32>, vector<16xi32>], vector<16xf32>,
        %get3A_752 = arith.index_cast %scan3A_738 : i32 to index
        %get3A_753 = arith.constant 48 : index
        %get3A_754 = tpu.vector_load %arg6[%get3A_752, %get3A_753] {strides = array<i32>} : memref<128x128xf32, #tpu.memory_space<vmem>>, vector<16xf32>,
        tpu.vector_store_idx %arg8[%add3A_16, %add3A_742], %get3A_754 : memref<64x129xf32, #tpu.memory_space<vmem>>[vector<16xi32>, vector<16xi32>], vector<16xf32>,
        %scan3A_755 = arith.constant 0 : i32
        %scan3A_756 = arith.constant 2 : i32
        %scan3A_757 = arith.addi %scan3A_720, %scan3A_756 : i32
        %broadcast_in_dim3A_758 = arith.constant 0 : i32
        %broadcast_in_dim3A_759 = vector.broadcast %broadcast_in_dim3A_758 : i32 to vector<16xi32>
        %add3A_760 = vector.broadcast %scan3A_757 : i32 to vector<16xi32>
        %add3A_761 = arith.addi %broadcast_in_dim3A_759, %add3A_760 : vector<16xi32>
        %get3A_762 = arith.index_cast %scan3A_757 : i32 to index
        %get3A_763 = arith.constant 0 : index
        %get3A_764 = tpu.vector_load %arg6[%get3A_762, %get3A_763] {strides = array<i32>} : memref<128x128xf32, #tpu.memory_space<vmem>>, vector<16xf32>,
        tpu.vector_store_idx %arg8[%add3A_7, %add3A_761], %get3A_764 : memref<64x129xf32, #tpu.memory_space<vmem>>[vector<16xi32>, vector<16xi32>], vector<16xf32>,
        %get3A_765 = arith.index_cast %scan3A_757 : i32 to index
        %get3A_766 = arith.constant 16 : index
        %get3A_767 = tpu.vector_load %arg6[%get3A_765, %get3A_766] {strides = array<i32>} : memref<128x128xf32, #tpu.memory_space<vmem>>, vector<16xf32>,
        tpu.vector_store_idx %arg8[%add3A_10, %add3A_761], %get3A_767 : memref<64x129xf32, #tpu.memory_space<vmem>>[vector<16xi32>, vector<16xi32>], vector<16xf32>,
        %get3A_768 = arith.index_cast %scan3A_757 : i32 to index
        %get3A_769 = arith.constant 32 : index
        %get3A_770 = tpu.vector_load %arg6[%get3A_768, %get3A_769] {strides = array<i32>} : memref<128x128xf32, #tpu.memory_space<vmem>>, vector<16xf32>,
        tpu.vector_store_idx %arg8[%add3A_13, %add3A_761], %get3A_770 : memref<64x129xf32, #tpu.memory_space<vmem>>[vector<16xi32>, vector<16xi32>], vector<16xf32>,
        %get3A_771 = arith.index_cast %scan3A_757 : i32 to index
        %get3A_772 = arith.constant 48 : index
        %get3A_773 = tpu.vector_load %arg6[%get3A_771, %get3A_772] {strides = array<i32>} : memref<128x128xf32, #tpu.memory_space<vmem>>, vector<16xf32>,
        tpu.vector_store_idx %arg8[%add3A_16, %add3A_761], %get3A_773 : memref<64x129xf32, #tpu.memory_space<vmem>>[vector<16xi32>, vector<16xi32>], vector<16xf32>,
        %scan3A_774 = arith.constant 0 : i32
        %scan3A_775 = arith.constant 3 : i32
        %scan3A_776 = arith.addi %scan3A_720, %scan3A_775 : i32
        %broadcast_in_dim3A_777 = arith.constant 0 : i32
        %broadcast_in_dim3A_778 = vector.broadcast %broadcast_in_dim3A_777 : i32 to vector<16xi32>
        %add3A_779 = vector.broadcast %scan3A_776 : i32 to vector<16xi32>
        %add3A_780 = arith.addi %broadcast_in_dim3A_778, %add3A_779 : vector<16xi32>
        %get3A_781 = arith.index_cast %scan3A_776 : i32 to index
        %get3A_782 = arith.constant 0 : index
        %get3A_783 = tpu.vector_load %arg6[%get3A_781, %get3A_782] {strides = array<i32>} : memref<128x128xf32, #tpu.memory_space<vmem>>, vector<16xf32>,
        tpu.vector_store_idx %arg8[%add3A_7, %add3A_780], %get3A_783 : memref<64x129xf32, #tpu.memory_space<vmem>>[vector<16xi32>, vector<16xi32>], vector<16xf32>,
        %get3A_784 = arith.index_cast %scan3A_776 : i32 to index
        %get3A_785 = arith.constant 16 : index
        %get3A_786 = tpu.vector_load %arg6[%get3A_784, %get3A_785] {strides = array<i32>} : memref<128x128xf32, #tpu.memory_space<vmem>>, vector<16xf32>,
        tpu.vector_store_idx %arg8[%add3A_10, %add3A_780], %get3A_786 : memref<64x129xf32, #tpu.memory_space<vmem>>[vector<16xi32>, vector<16xi32>], vector<16xf32>,
        %get3A_787 = arith.index_cast %scan3A_776 : i32 to index
        %get3A_788 = arith.constant 32 : index
        %get3A_789 = tpu.vector_load %arg6[%get3A_787, %get3A_788] {strides = array<i32>} : memref<128x128xf32, #tpu.memory_space<vmem>>, vector<16xf32>,
        tpu.vector_store_idx %arg8[%add3A_13, %add3A_780], %get3A_789 : memref<64x129xf32, #tpu.memory_space<vmem>>[vector<16xi32>, vector<16xi32>], vector<16xf32>,
        %get3A_790 = arith.index_cast %scan3A_776 : i32 to index
        %get3A_791 = arith.constant 48 : index
        %get3A_792 = tpu.vector_load %arg6[%get3A_790, %get3A_791] {strides = array<i32>} : memref<128x128xf32, #tpu.memory_space<vmem>>, vector<16xf32>,
        tpu.vector_store_idx %arg8[%add3A_16, %add3A_780], %get3A_792 : memref<64x129xf32, #tpu.memory_space<vmem>>[vector<16xi32>, vector<16xi32>], vector<16xf32>,
        %scan3A_793 = arith.constant 0 : i32
        scf.yield %scan3A_793 : i32
      }
      %scan3A_171 = arith.constant 128 : i32
      %add3A_172 = arith.addi %mul3A_4, %mul3A_149 : i32
      %jit3A = arith.constant 128 : i32
      %div3A = arith.divsi %add3A_172, %jit3A : i32
      %sign3A = arith.constant 0 : i32
      %sign3A_173 = arith.cmpi sgt, %add3A_172, %sign3A : i32
      %sign3A_174 = arith.extui %sign3A_173 : i1 to i32
      %sign3A_175 = arith.constant 0 : i32
      %sign3A_176 = arith.cmpi slt, %add3A_172, %sign3A_175 : i32
      %sign3A_177 = arith.extui %sign3A_176 : i1 to i32
      %sign3A_178 = arith.subi %sign3A_174, %sign3A_177 : i32
      %sign3A_179 = arith.constant 0 : i32
      %sign3A_180 = arith.cmpi sgt, %jit3A, %sign3A_179 : i32
      %sign3A_181 = arith.extui %sign3A_180 : i1 to i32
      %sign3A_182 = arith.constant 0 : i32
      %sign3A_183 = arith.cmpi slt, %jit3A, %sign3A_182 : i32
      %sign3A_184 = arith.extui %sign3A_183 : i1 to i32
      %sign3A_185 = arith.subi %sign3A_181, %sign3A_184 : i32
      %ne3A = arith.cmpi ne, %sign3A_178, %sign3A_185 : i32
      %rem3A = arith.remsi %add3A_172, %jit3A : i32
      %ne3A_186 = arith.constant 0 : i32
      %ne3A_187 = arith.cmpi ne, %rem3A, %ne3A_186 : i32
      %and3A = arith.andi %ne3A, %ne3A_187 : i1
      %sub3A = arith.constant 1 : i32
      %sub3A_188 = arith.subi %div3A, %sub3A : i32
      %select_n3A = arith.select %and3A, %sub3A_188, %div3A : i32
      %jit3A_189 = arith.constant 128 : i32
      %eq3A = arith.constant 0 : i32
      %eq3A_190 = arith.cmpi eq, %jit3A_189, %eq3A : i32
      %jit3A_191 = arith.constant 1 : i32
      %select_n3A_192 = arith.select %eq3A_190, %jit3A_191, %jit3A_189 : i32
      %rem3A_193 = arith.remsi %add3A_172, %select_n3A_192 : i32
      %ne3A_194 = arith.constant 0 : i32
      %ne3A_195 = arith.cmpi ne, %rem3A_193, %ne3A_194 : i32
      %lt3A = arith.constant 0 : i32
      %lt3A_196 = arith.cmpi slt, %rem3A_193, %lt3A : i32
      %lt3A_197 = arith.constant 0 : i32
      %lt3A_198 = arith.cmpi slt, %select_n3A_192, %lt3A_197 : i32
      %ne3A_199 = arith.xori %lt3A_196, %lt3A_198 : i1
      %and3A_200 = arith.andi %ne3A_199, %ne3A_195 : i1
      %add3A_201 = arith.addi %rem3A_193, %select_n3A_192 : i32
      %select_n3A_202 = arith.select %and3A_200, %add3A_201, %rem3A_193 : i32
      %mul3A_203 = arith.constant 8 : i32
      %mul3A_204 = arith.muli %select_n3A, %mul3A_203 : i32
      %add3A_205 = arith.constant 0 : i32
      %add3A_206 = arith.addi %mul3A_204, %add3A_205 : i32
      %mul3A_207 = arith.constant 128 : i32
      %mul3A_208 = arith.muli %add3A_206, %mul3A_207 : i32
      %add3A_209 = arith.addi %mul3A_208, %select_n3A_202 : i32
      %dma_start3A_210 = arith.constant 0 : i32
      %dma_start3A_211 = arith.constant 0 : i32
      %dma_start3A_212 = tpu.memref_slice %arg8[%dma_start3A_210, %dma_start3A_211] : memref<64x129xf32, #tpu.memory_space<vmem>> -> memref<8x128xf32, #tpu.memory_space<vmem>>
      %dma_start3A_213 = arith.constant 0 : i32
      %dma_start3A_214 = arith.constant 0 : i32
      %dma_start3A_215 = tpu.memref_slice %arg4[%add3A_209, %dma_start3A_213, %dma_start3A_214] : memref<51200x8x128xf32, #tpu.memory_space<hbm>> -> memref<1x8x128xf32, #tpu.memory_space<hbm>>
      %dma_start3A_216 = tpu.memref_squeeze %dma_start3A_215 : memref<1x8x128xf32, #tpu.memory_space<hbm>> -> memref<8x128xf32, #tpu.memory_space<hbm>>
      %dma_start3A_217 = arith.constant 0 : i32
      %dma_start3A_218 = arith.constant 0 : i32
      %dma_start3A_219 = tpu.memref_slice %arg4[%add3A_209, %dma_start3A_217, %dma_start3A_218] : memref<51200x8x128xf32, #tpu.memory_space<hbm>> -> memref<1x8x128xf32, #tpu.memory_space<hbm>>
      %dma_start3A_220 = tpu.memref_squeeze %dma_start3A_219 : memref<1x8x128xf32, #tpu.memory_space<hbm>> -> memref<8x128xf32, #tpu.memory_space<hbm>>
      %dma_start3A_221 = arith.constant 0 : i32
      %dma_start3A_222 = arith.constant 0 : i32
      %dma_start3A_223 = tpu.memref_slice %arg8[%dma_start3A_221, %dma_start3A_222] : memref<64x129xf32, #tpu.memory_space<vmem>> -> memref<8x128xf32, #tpu.memory_space<vmem>>
      tpu.enqueue_dma source(%dma_start3A_223 : memref<8x128xf32, #tpu.memory_space<vmem>>) target(%dma_start3A_220 : memref<8x128xf32, #tpu.memory_space<hbm>>) target_semaphore(%arg12 : memref<!tpu.dma_semaphore, #tpu.memory_space<semaphore_mem>>)
      %mul3A_224 = arith.constant 8 : i32
      %mul3A_225 = arith.muli %select_n3A, %mul3A_224 : i32
      %add3A_226 = arith.constant 1 : i32
      %add3A_227 = arith.addi %mul3A_225, %add3A_226 : i32
      %mul3A_228 = arith.constant 128 : i32
      %mul3A_229 = arith.muli %add3A_227, %mul3A_228 : i32
      %add3A_230 = arith.addi %mul3A_229, %select_n3A_202 : i32
      %dma_start3A_231 = arith.constant 8 : i32
      %dma_start3A_232 = arith.constant 0 : i32
      %dma_start3A_233 = tpu.memref_slice %arg8[%dma_start3A_231, %dma_start3A_232] : memref<64x129xf32, #tpu.memory_space<vmem>> -> memref<8x128xf32, #tpu.memory_space<vmem>>
      %dma_start3A_234 = arith.constant 0 : i32
      %dma_start3A_235 = arith.constant 0 : i32
      %dma_start3A_236 = tpu.memref_slice %arg4[%add3A_230, %dma_start3A_234, %dma_start3A_235] : memref<51200x8x128xf32, #tpu.memory_space<hbm>> -> memref<1x8x128xf32, #tpu.memory_space<hbm>>
      %dma_start3A_237 = tpu.memref_squeeze %dma_start3A_236 : memref<1x8x128xf32, #tpu.memory_space<hbm>> -> memref<8x128xf32, #tpu.memory_space<hbm>>
      %dma_start3A_238 = arith.constant 0 : i32
      %dma_start3A_239 = arith.constant 0 : i32
      %dma_start3A_240 = tpu.memref_slice %arg4[%add3A_230, %dma_start3A_238, %dma_start3A_239] : memref<51200x8x128xf32, #tpu.memory_space<hbm>> -> memref<1x8x128xf32, #tpu.memory_space<hbm>>
      %dma_start3A_241 = tpu.memref_squeeze %dma_start3A_240 : memref<1x8x128xf32, #tpu.memory_space<hbm>> -> memref<8x128xf32, #tpu.memory_space<hbm>>
      %dma_start3A_242 = arith.constant 8 : i32
      %dma_start3A_243 = arith.constant 0 : i32
      %dma_start3A_244 = tpu.memref_slice %arg8[%dma_start3A_242, %dma_start3A_243] : memref<64x129xf32, #tpu.memory_space<vmem>> -> memref<8x128xf32, #tpu.memory_space<vmem>>
      tpu.enqueue_dma source(%dma_start3A_244 : memref<8x128xf32, #tpu.memory_space<vmem>>) target(%dma_start3A_241 : memref<8x128xf32, #tpu.memory_space<hbm>>) target_semaphore(%arg12 : memref<!tpu.dma_semaphore, #tpu.memory_space<semaphore_mem>>)
      %mul3A_245 = arith.constant 8 : i32
      %mul3A_246 = arith.muli %select_n3A, %mul3A_245 : i32
      %add3A_247 = arith.constant 2 : i32
      %add3A_248 = arith.addi %mul3A_246, %add3A_247 : i32
      %mul3A_249 = arith.constant 128 : i32
      %mul3A_250 = arith.muli %add3A_248, %mul3A_249 : i32
      %add3A_251 = arith.addi %mul3A_250, %select_n3A_202 : i32
      %dma_start3A_252 = arith.constant 16 : i32
      %dma_start3A_253 = arith.constant 0 : i32
      %dma_start3A_254 = tpu.memref_slice %arg8[%dma_start3A_252, %dma_start3A_253] : memref<64x129xf32, #tpu.memory_space<vmem>> -> memref<8x128xf32, #tpu.memory_space<vmem>>
      %dma_start3A_255 = arith.constant 0 : i32
      %dma_start3A_256 = arith.constant 0 : i32
      %dma_start3A_257 = tpu.memref_slice %arg4[%add3A_251, %dma_start3A_255, %dma_start3A_256] : memref<51200x8x128xf32, #tpu.memory_space<hbm>> -> memref<1x8x128xf32, #tpu.memory_space<hbm>>
      %dma_start3A_258 = tpu.memref_squeeze %dma_start3A_257 : memref<1x8x128xf32, #tpu.memory_space<hbm>> -> memref<8x128xf32, #tpu.memory_space<hbm>>
      %dma_start3A_259 = arith.constant 0 : i32
      %dma_start3A_260 = arith.constant 0 : i32
      %dma_start3A_261 = tpu.memref_slice %arg4[%add3A_251, %dma_start3A_259, %dma_start3A_260] : memref<51200x8x128xf32, #tpu.memory_space<hbm>> -> memref<1x8x128xf32, #tpu.memory_space<hbm>>
      %dma_start3A_262 = tpu.memref_squeeze %dma_start3A_261 : memref<1x8x128xf32, #tpu.memory_space<hbm>> -> memref<8x128xf32, #tpu.memory_space<hbm>>
      %dma_start3A_263 = arith.constant 16 : i32
      %dma_start3A_264 = arith.constant 0 : i32
      %dma_start3A_265 = tpu.memref_slice %arg8[%dma_start3A_263, %dma_start3A_264] : memref<64x129xf32, #tpu.memory_space<vmem>> -> memref<8x128xf32, #tpu.memory_space<vmem>>
      tpu.enqueue_dma source(%dma_start3A_265 : memref<8x128xf32, #tpu.memory_space<vmem>>) target(%dma_start3A_262 : memref<8x128xf32, #tpu.memory_space<hbm>>) target_semaphore(%arg12 : memref<!tpu.dma_semaphore, #tpu.memory_space<semaphore_mem>>)
      %mul3A_266 = arith.constant 8 : i32
      %mul3A_267 = arith.muli %select_n3A, %mul3A_266 : i32
      %add3A_268 = arith.constant 3 : i32
      %add3A_269 = arith.addi %mul3A_267, %add3A_268 : i32
      %mul3A_270 = arith.constant 128 : i32
      %mul3A_271 = arith.muli %add3A_269, %mul3A_270 : i32
      %add3A_272 = arith.addi %mul3A_271, %select_n3A_202 : i32
      %dma_start3A_273 = arith.constant 24 : i32
      %dma_start3A_274 = arith.constant 0 : i32
      %dma_start3A_275 = tpu.memref_slice %arg8[%dma_start3A_273, %dma_start3A_274] : memref<64x129xf32, #tpu.memory_space<vmem>> -> memref<8x128xf32, #tpu.memory_space<vmem>>
      %dma_start3A_276 = arith.constant 0 : i32
      %dma_start3A_277 = arith.constant 0 : i32
      %dma_start3A_278 = tpu.memref_slice %arg4[%add3A_272, %dma_start3A_276, %dma_start3A_277] : memref<51200x8x128xf32, #tpu.memory_space<hbm>> -> memref<1x8x128xf32, #tpu.memory_space<hbm>>
      %dma_start3A_279 = tpu.memref_squeeze %dma_start3A_278 : memref<1x8x128xf32, #tpu.memory_space<hbm>> -> memref<8x128xf32, #tpu.memory_space<hbm>>
      %dma_start3A_280 = arith.constant 0 : i32
      %dma_start3A_281 = arith.constant 0 : i32
      %dma_start3A_282 = tpu.memref_slice %arg4[%add3A_272, %dma_start3A_280, %dma_start3A_281] : memref<51200x8x128xf32, #tpu.memory_space<hbm>> -> memref<1x8x128xf32, #tpu.memory_space<hbm>>
      %dma_start3A_283 = tpu.memref_squeeze %dma_start3A_282 : memref<1x8x128xf32, #tpu.memory_space<hbm>> -> memref<8x128xf32, #tpu.memory_space<hbm>>
      %dma_start3A_284 = arith.constant 24 : i32
      %dma_start3A_285 = arith.constant 0 : i32
      %dma_start3A_286 = tpu.memref_slice %arg8[%dma_start3A_284, %dma_start3A_285] : memref<64x129xf32, #tpu.memory_space<vmem>> -> memref<8x128xf32, #tpu.memory_space<vmem>>
      tpu.enqueue_dma source(%dma_start3A_286 : memref<8x128xf32, #tpu.memory_space<vmem>>) target(%dma_start3A_283 : memref<8x128xf32, #tpu.memory_space<hbm>>) target_semaphore(%arg12 : memref<!tpu.dma_semaphore, #tpu.memory_space<semaphore_mem>>)
      %mul3A_287 = arith.constant 8 : i32
      %mul3A_288 = arith.muli %select_n3A, %mul3A_287 : i32
      %add3A_289 = arith.constant 4 : i32
      %add3A_290 = arith.addi %mul3A_288, %add3A_289 : i32
      %mul3A_291 = arith.constant 128 : i32
      %mul3A_292 = arith.muli %add3A_290, %mul3A_291 : i32
      %add3A_293 = arith.addi %mul3A_292, %select_n3A_202 : i32
      %dma_start3A_294 = arith.constant 32 : i32
      %dma_start3A_295 = arith.constant 0 : i32
      %dma_start3A_296 = tpu.memref_slice %arg8[%dma_start3A_294, %dma_start3A_295] : memref<64x129xf32, #tpu.memory_space<vmem>> -> memref<8x128xf32, #tpu.memory_space<vmem>>
      %dma_start3A_297 = arith.constant 0 : i32
      %dma_start3A_298 = arith.constant 0 : i32
      %dma_start3A_299 = tpu.memref_slice %arg4[%add3A_293, %dma_start3A_297, %dma_start3A_298] : memref<51200x8x128xf32, #tpu.memory_space<hbm>> -> memref<1x8x128xf32, #tpu.memory_space<hbm>>
      %dma_start3A_300 = tpu.memref_squeeze %dma_start3A_299 : memref<1x8x128xf32, #tpu.memory_space<hbm>> -> memref<8x128xf32, #tpu.memory_space<hbm>>
      %dma_start3A_301 = arith.constant 0 : i32
      %dma_start3A_302 = arith.constant 0 : i32
      %dma_start3A_303 = tpu.memref_slice %arg4[%add3A_293, %dma_start3A_301, %dma_start3A_302] : memref<51200x8x128xf32, #tpu.memory_space<hbm>> -> memref<1x8x128xf32, #tpu.memory_space<hbm>>
      %dma_start3A_304 = tpu.memref_squeeze %dma_start3A_303 : memref<1x8x128xf32, #tpu.memory_space<hbm>> -> memref<8x128xf32, #tpu.memory_space<hbm>>
      %dma_start3A_305 = arith.constant 32 : i32
      %dma_start3A_306 = arith.constant 0 : i32
      %dma_start3A_307 = tpu.memref_slice %arg8[%dma_start3A_305, %dma_start3A_306] : memref<64x129xf32, #tpu.memory_space<vmem>> -> memref<8x128xf32, #tpu.memory_space<vmem>>
      tpu.enqueue_dma source(%dma_start3A_307 : memref<8x128xf32, #tpu.memory_space<vmem>>) target(%dma_start3A_304 : memref<8x128xf32, #tpu.memory_space<hbm>>) target_semaphore(%arg12 : memref<!tpu.dma_semaphore, #tpu.memory_space<semaphore_mem>>)
      %mul3A_308 = arith.constant 8 : i32
      %mul3A_309 = arith.muli %select_n3A, %mul3A_308 : i32
      %add3A_310 = arith.constant 5 : i32
      %add3A_311 = arith.addi %mul3A_309, %add3A_310 : i32
      %mul3A_312 = arith.constant 128 : i32
      %mul3A_313 = arith.muli %add3A_311, %mul3A_312 : i32
      %add3A_314 = arith.addi %mul3A_313, %select_n3A_202 : i32
      %dma_start3A_315 = arith.constant 40 : i32
      %dma_start3A_316 = arith.constant 0 : i32
      %dma_start3A_317 = tpu.memref_slice %arg8[%dma_start3A_315, %dma_start3A_316] : memref<64x129xf32, #tpu.memory_space<vmem>> -> memref<8x128xf32, #tpu.memory_space<vmem>>
      %dma_start3A_318 = arith.constant 0 : i32
      %dma_start3A_319 = arith.constant 0 : i32
      %dma_start3A_320 = tpu.memref_slice %arg4[%add3A_314, %dma_start3A_318, %dma_start3A_319] : memref<51200x8x128xf32, #tpu.memory_space<hbm>> -> memref<1x8x128xf32, #tpu.memory_space<hbm>>
      %dma_start3A_321 = tpu.memref_squeeze %dma_start3A_320 : memref<1x8x128xf32, #tpu.memory_space<hbm>> -> memref<8x128xf32, #tpu.memory_space<hbm>>
      %dma_start3A_322 = arith.constant 0 : i32
      %dma_start3A_323 = arith.constant 0 : i32
      %dma_start3A_324 = tpu.memref_slice %arg4[%add3A_314, %dma_start3A_322, %dma_start3A_323] : memref<51200x8x128xf32, #tpu.memory_space<hbm>> -> memref<1x8x128xf32, #tpu.memory_space<hbm>>
      %dma_start3A_325 = tpu.memref_squeeze %dma_start3A_324 : memref<1x8x128xf32, #tpu.memory_space<hbm>> -> memref<8x128xf32, #tpu.memory_space<hbm>>
      %dma_start3A_326 = arith.constant 40 : i32
      %dma_start3A_327 = arith.constant 0 : i32
      %dma_start3A_328 = tpu.memref_slice %arg8[%dma_start3A_326, %dma_start3A_327] : memref<64x129xf32, #tpu.memory_space<vmem>> -> memref<8x128xf32, #tpu.memory_space<vmem>>
      tpu.enqueue_dma source(%dma_start3A_328 : memref<8x128xf32, #tpu.memory_space<vmem>>) target(%dma_start3A_325 : memref<8x128xf32, #tpu.memory_space<hbm>>) target_semaphore(%arg12 : memref<!tpu.dma_semaphore, #tpu.memory_space<semaphore_mem>>)
      %mul3A_329 = arith.constant 8 : i32
      %mul3A_330 = arith.muli %select_n3A, %mul3A_329 : i32
      %add3A_331 = arith.constant 6 : i32
      %add3A_332 = arith.addi %mul3A_330, %add3A_331 : i32
      %mul3A_333 = arith.constant 128 : i32
      %mul3A_334 = arith.muli %add3A_332, %mul3A_333 : i32
      %add3A_335 = arith.addi %mul3A_334, %select_n3A_202 : i32
      %dma_start3A_336 = arith.constant 48 : i32
      %dma_start3A_337 = arith.constant 0 : i32
      %dma_start3A_338 = tpu.memref_slice %arg8[%dma_start3A_336, %dma_start3A_337] : memref<64x129xf32, #tpu.memory_space<vmem>> -> memref<8x128xf32, #tpu.memory_space<vmem>>
      %dma_start3A_339 = arith.constant 0 : i32
      %dma_start3A_340 = arith.constant 0 : i32
      %dma_start3A_341 = tpu.memref_slice %arg4[%add3A_335, %dma_start3A_339, %dma_start3A_340] : memref<51200x8x128xf32, #tpu.memory_space<hbm>> -> memref<1x8x128xf32, #tpu.memory_space<hbm>>
      %dma_start3A_342 = tpu.memref_squeeze %dma_start3A_341 : memref<1x8x128xf32, #tpu.memory_space<hbm>> -> memref<8x128xf32, #tpu.memory_space<hbm>>
      %dma_start3A_343 = arith.constant 0 : i32
      %dma_start3A_344 = arith.constant 0 : i32
      %dma_start3A_345 = tpu.memref_slice %arg4[%add3A_335, %dma_start3A_343, %dma_start3A_344] : memref<51200x8x128xf32, #tpu.memory_space<hbm>> -> memref<1x8x128xf32, #tpu.memory_space<hbm>>
      %dma_start3A_346 = tpu.memref_squeeze %dma_start3A_345 : memref<1x8x128xf32, #tpu.memory_space<hbm>> -> memref<8x128xf32, #tpu.memory_space<hbm>>
      %dma_start3A_347 = arith.constant 48 : i32
      %dma_start3A_348 = arith.constant 0 : i32
      %dma_start3A_349 = tpu.memref_slice %arg8[%dma_start3A_347, %dma_start3A_348] : memref<64x129xf32, #tpu.memory_space<vmem>> -> memref<8x128xf32, #tpu.memory_space<vmem>>
      tpu.enqueue_dma source(%dma_start3A_349 : memref<8x128xf32, #tpu.memory_space<vmem>>) target(%dma_start3A_346 : memref<8x128xf32, #tpu.memory_space<hbm>>) target_semaphore(%arg12 : memref<!tpu.dma_semaphore, #tpu.memory_space<semaphore_mem>>)
      %mul3A_350 = arith.constant 8 : i32
      %mul3A_351 = arith.muli %select_n3A, %mul3A_350 : i32
      %add3A_352 = arith.constant 7 : i32
      %add3A_353 = arith.addi %mul3A_351, %add3A_352 : i32
      %mul3A_354 = arith.constant 128 : i32
      %mul3A_355 = arith.muli %add3A_353, %mul3A_354 : i32
      %add3A_356 = arith.addi %mul3A_355, %select_n3A_202 : i32
      %dma_start3A_357 = arith.constant 56 : i32
      %dma_start3A_358 = arith.constant 0 : i32
      %dma_start3A_359 = tpu.memref_slice %arg8[%dma_start3A_357, %dma_start3A_358] : memref<64x129xf32, #tpu.memory_space<vmem>> -> memref<8x128xf32, #tpu.memory_space<vmem>>
      %dma_start3A_360 = arith.constant 0 : i32
      %dma_start3A_361 = arith.constant 0 : i32
      %dma_start3A_362 = tpu.memref_slice %arg4[%add3A_356, %dma_start3A_360, %dma_start3A_361] : memref<51200x8x128xf32, #tpu.memory_space<hbm>> -> memref<1x8x128xf32, #tpu.memory_space<hbm>>
      %dma_start3A_363 = tpu.memref_squeeze %dma_start3A_362 : memref<1x8x128xf32, #tpu.memory_space<hbm>> -> memref<8x128xf32, #tpu.memory_space<hbm>>
      %dma_start3A_364 = arith.constant 0 : i32
      %dma_start3A_365 = arith.constant 0 : i32
      %dma_start3A_366 = tpu.memref_slice %arg4[%add3A_356, %dma_start3A_364, %dma_start3A_365] : memref<51200x8x128xf32, #tpu.memory_space<hbm>> -> memref<1x8x128xf32, #tpu.memory_space<hbm>>
      %dma_start3A_367 = tpu.memref_squeeze %dma_start3A_366 : memref<1x8x128xf32, #tpu.memory_space<hbm>> -> memref<8x128xf32, #tpu.memory_space<hbm>>
      %dma_start3A_368 = arith.constant 56 : i32
      %dma_start3A_369 = arith.constant 0 : i32
      %dma_start3A_370 = tpu.memref_slice %arg8[%dma_start3A_368, %dma_start3A_369] : memref<64x129xf32, #tpu.memory_space<vmem>> -> memref<8x128xf32, #tpu.memory_space<vmem>>
      tpu.enqueue_dma source(%dma_start3A_370 : memref<8x128xf32, #tpu.memory_space<vmem>>) target(%dma_start3A_367 : memref<8x128xf32, #tpu.memory_space<hbm>>) target_semaphore(%arg12 : memref<!tpu.dma_semaphore, #tpu.memory_space<semaphore_mem>>)
      %dma_wait3A_371 = arith.constant 0 : i32
      %dma_wait3A_372 = tpu.memref_slice %arg5[%dma_wait3A_371] : memref<25600xi32, #tpu.memory_space<vmem>> -> memref<128xi32, #tpu.memory_space<vmem>>
      %dma_wait3A_373 = arith.constant 0 : i32
      %dma_wait3A_374 = arith.constant 0 : i32
      %dma_wait3A_375 = tpu.memref_slice %arg3[%dma_wait3A_373, %dma_wait3A_374] : memref<1000000x128xf32, #tpu.memory_space<hbm>> -> memref<1000000x128xf32, #tpu.memory_space<hbm>>
      tpu.wait_indirect_dma semaphore(%arg11 : memref<!tpu.dma_semaphore, #tpu.memory_space<semaphore_mem>>) src(%dma_wait3A_375 : memref<1000000x128xf32, #tpu.memory_space<hbm>>) dst(%arg7 : memref<128x128xf32, #tpu.memory_space<vmem>>)
      %dma_wait3A_376 = arith.constant 0 : i32
      %dma_wait3A_377 = arith.constant 0 : i32
      %dma_wait3A_378 = arith.constant 0 : i32
      %dma_wait3A_379 = tpu.memref_slice %arg8[%dma_wait3A_377, %dma_wait3A_378] : memref<64x129xf32, #tpu.memory_space<vmem>> -> memref<8x128xf32, #tpu.memory_space<vmem>>
      %dma_wait3A_380 = arith.constant 0 : i32
      %dma_wait3A_381 = arith.constant 0 : i32
      %dma_wait3A_382 = tpu.memref_slice %arg4[%dma_wait3A_376, %dma_wait3A_380, %dma_wait3A_381] : memref<51200x8x128xf32, #tpu.memory_space<hbm>> -> memref<1x8x128xf32, #tpu.memory_space<hbm>>
      %dma_wait3A_383 = tpu.memref_squeeze %dma_wait3A_382 : memref<1x8x128xf32, #tpu.memory_space<hbm>> -> memref<8x128xf32, #tpu.memory_space<hbm>>
      %dma_wait3A_384 = arith.constant 0 : i32
      %dma_wait3A_385 = arith.constant 0 : i32
      %dma_wait3A_386 = tpu.memref_slice %arg4[%dma_wait3A_376, %dma_wait3A_384, %dma_wait3A_385] : memref<51200x8x128xf32, #tpu.memory_space<hbm>> -> memref<1x8x128xf32, #tpu.memory_space<hbm>>
      %dma_wait3A_387 = tpu.memref_squeeze %dma_wait3A_386 : memref<1x8x128xf32, #tpu.memory_space<hbm>> -> memref<8x128xf32, #tpu.memory_space<hbm>>
      %dma_wait3A_388 = arith.constant 0 : i32
      %dma_wait3A_389 = arith.constant 0 : i32
      %dma_wait3A_390 = tpu.memref_slice %arg8[%dma_wait3A_388, %dma_wait3A_389] : memref<64x129xf32, #tpu.memory_space<vmem>> -> memref<8x128xf32, #tpu.memory_space<vmem>>
      tpu.wait_dma2 semaphore(%arg12 : memref<!tpu.dma_semaphore, #tpu.memory_space<semaphore_mem>>) src(%dma_wait3A_390 : memref<8x128xf32, #tpu.memory_space<vmem>>) dst(%dma_wait3A_387 : memref<8x128xf32, #tpu.memory_space<hbm>>)
      %dma_wait3A_391 = arith.constant 0 : i32
      %dma_wait3A_392 = arith.constant 8 : i32
      %dma_wait3A_393 = arith.constant 0 : i32
      %dma_wait3A_394 = tpu.memref_slice %arg8[%dma_wait3A_392, %dma_wait3A_393] : memref<64x129xf32, #tpu.memory_space<vmem>> -> memref<8x128xf32, #tpu.memory_space<vmem>>
      %dma_wait3A_395 = arith.constant 0 : i32
      %dma_wait3A_396 = arith.constant 0 : i32
      %dma_wait3A_397 = tpu.memref_slice %arg4[%dma_wait3A_391, %dma_wait3A_395, %dma_wait3A_396] : memref<51200x8x128xf32, #tpu.memory_space<hbm>> -> memref<1x8x128xf32, #tpu.memory_space<hbm>>
      %dma_wait3A_398 = tpu.memref_squeeze %dma_wait3A_397 : memref<1x8x128xf32, #tpu.memory_space<hbm>> -> memref<8x128xf32, #tpu.memory_space<hbm>>
      %dma_wait3A_399 = arith.constant 0 : i32
      %dma_wait3A_400 = arith.constant 0 : i32
      %dma_wait3A_401 = tpu.memref_slice %arg4[%dma_wait3A_391, %dma_wait3A_399, %dma_wait3A_400] : memref<51200x8x128xf32, #tpu.memory_space<hbm>> -> memref<1x8x128xf32, #tpu.memory_space<hbm>>
      %dma_wait3A_402 = tpu.memref_squeeze %dma_wait3A_401 : memref<1x8x128xf32, #tpu.memory_space<hbm>> -> memref<8x128xf32, #tpu.memory_space<hbm>>
      %dma_wait3A_403 = arith.constant 8 : i32
      %dma_wait3A_404 = arith.constant 0 : i32
      %dma_wait3A_405 = tpu.memref_slice %arg8[%dma_wait3A_403, %dma_wait3A_404] : memref<64x129xf32, #tpu.memory_space<vmem>> -> memref<8x128xf32, #tpu.memory_space<vmem>>
      tpu.wait_dma2 semaphore(%arg12 : memref<!tpu.dma_semaphore, #tpu.memory_space<semaphore_mem>>) src(%dma_wait3A_405 : memref<8x128xf32, #tpu.memory_space<vmem>>) dst(%dma_wait3A_402 : memref<8x128xf32, #tpu.memory_space<hbm>>)
      %dma_wait3A_406 = arith.constant 0 : i32
      %dma_wait3A_407 = arith.constant 16 : i32
      %dma_wait3A_408 = arith.constant 0 : i32
      %dma_wait3A_409 = tpu.memref_slice %arg8[%dma_wait3A_407, %dma_wait3A_408] : memref<64x129xf32, #tpu.memory_space<vmem>> -> memref<8x128xf32, #tpu.memory_space<vmem>>
      %dma_wait3A_410 = arith.constant 0 : i32
      %dma_wait3A_411 = arith.constant 0 : i32
      %dma_wait3A_412 = tpu.memref_slice %arg4[%dma_wait3A_406, %dma_wait3A_410, %dma_wait3A_411] : memref<51200x8x128xf32, #tpu.memory_space<hbm>> -> memref<1x8x128xf32, #tpu.memory_space<hbm>>
      %dma_wait3A_413 = tpu.memref_squeeze %dma_wait3A_412 : memref<1x8x128xf32, #tpu.memory_space<hbm>> -> memref<8x128xf32, #tpu.memory_space<hbm>>
      %dma_wait3A_414 = arith.constant 0 : i32
      %dma_wait3A_415 = arith.constant 0 : i32
      %dma_wait3A_416 = tpu.memref_slice %arg4[%dma_wait3A_406, %dma_wait3A_414, %dma_wait3A_415] : memref<51200x8x128xf32, #tpu.memory_space<hbm>> -> memref<1x8x128xf32, #tpu.memory_space<hbm>>
      %dma_wait3A_417 = tpu.memref_squeeze %dma_wait3A_416 : memref<1x8x128xf32, #tpu.memory_space<hbm>> -> memref<8x128xf32, #tpu.memory_space<hbm>>
      %dma_wait3A_418 = arith.constant 16 : i32
      %dma_wait3A_419 = arith.constant 0 : i32
      %dma_wait3A_420 = tpu.memref_slice %arg8[%dma_wait3A_418, %dma_wait3A_419] : memref<64x129xf32, #tpu.memory_space<vmem>> -> memref<8x128xf32, #tpu.memory_space<vmem>>
      tpu.wait_dma2 semaphore(%arg12 : memref<!tpu.dma_semaphore, #tpu.memory_space<semaphore_mem>>) src(%dma_wait3A_420 : memref<8x128xf32, #tpu.memory_space<vmem>>) dst(%dma_wait3A_417 : memref<8x128xf32, #tpu.memory_space<hbm>>)
      %dma_wait3A_421 = arith.constant 0 : i32
      %dma_wait3A_422 = arith.constant 24 : i32
      %dma_wait3A_423 = arith.constant 0 : i32
      %dma_wait3A_424 = tpu.memref_slice %arg8[%dma_wait3A_422, %dma_wait3A_423] : memref<64x129xf32, #tpu.memory_space<vmem>> -> memref<8x128xf32, #tpu.memory_space<vmem>>
      %dma_wait3A_425 = arith.constant 0 : i32
      %dma_wait3A_426 = arith.constant 0 : i32
      %dma_wait3A_427 = tpu.memref_slice %arg4[%dma_wait3A_421, %dma_wait3A_425, %dma_wait3A_426] : memref<51200x8x128xf32, #tpu.memory_space<hbm>> -> memref<1x8x128xf32, #tpu.memory_space<hbm>>
      %dma_wait3A_428 = tpu.memref_squeeze %dma_wait3A_427 : memref<1x8x128xf32, #tpu.memory_space<hbm>> -> memref<8x128xf32, #tpu.memory_space<hbm>>
      %dma_wait3A_429 = arith.constant 0 : i32
      %dma_wait3A_430 = arith.constant 0 : i32
      %dma_wait3A_431 = tpu.memref_slice %arg4[%dma_wait3A_421, %dma_wait3A_429, %dma_wait3A_430] : memref<51200x8x128xf32, #tpu.memory_space<hbm>> -> memref<1x8x128xf32, #tpu.memory_space<hbm>>
      %dma_wait3A_432 = tpu.memref_squeeze %dma_wait3A_431 : memref<1x8x128xf32, #tpu.memory_space<hbm>> -> memref<8x128xf32, #tpu.memory_space<hbm>>
      %dma_wait3A_433 = arith.constant 24 : i32
      %dma_wait3A_434 = arith.constant 0 : i32
      %dma_wait3A_435 = tpu.memref_slice %arg8[%dma_wait3A_433, %dma_wait3A_434] : memref<64x129xf32, #tpu.memory_space<vmem>> -> memref<8x128xf32, #tpu.memory_space<vmem>>
      tpu.wait_dma2 semaphore(%arg12 : memref<!tpu.dma_semaphore, #tpu.memory_space<semaphore_mem>>) src(%dma_wait3A_435 : memref<8x128xf32, #tpu.memory_space<vmem>>) dst(%dma_wait3A_432 : memref<8x128xf32, #tpu.memory_space<hbm>>)
      %dma_wait3A_436 = arith.constant 0 : i32
      %dma_wait3A_437 = arith.constant 32 : i32
      %dma_wait3A_438 = arith.constant 0 : i32
      %dma_wait3A_439 = tpu.memref_slice %arg8[%dma_wait3A_437, %dma_wait3A_438] : memref<64x129xf32, #tpu.memory_space<vmem>> -> memref<8x128xf32, #tpu.memory_space<vmem>>
      %dma_wait3A_440 = arith.constant 0 : i32
      %dma_wait3A_441 = arith.constant 0 : i32
      %dma_wait3A_442 = tpu.memref_slice %arg4[%dma_wait3A_436, %dma_wait3A_440, %dma_wait3A_441] : memref<51200x8x128xf32, #tpu.memory_space<hbm>> -> memref<1x8x128xf32, #tpu.memory_space<hbm>>
      %dma_wait3A_443 = tpu.memref_squeeze %dma_wait3A_442 : memref<1x8x128xf32, #tpu.memory_space<hbm>> -> memref<8x128xf32, #tpu.memory_space<hbm>>
      %dma_wait3A_444 = arith.constant 0 : i32
      %dma_wait3A_445 = arith.constant 0 : i32
      %dma_wait3A_446 = tpu.memref_slice %arg4[%dma_wait3A_436, %dma_wait3A_444, %dma_wait3A_445] : memref<51200x8x128xf32, #tpu.memory_space<hbm>> -> memref<1x8x128xf32, #tpu.memory_space<hbm>>
      %dma_wait3A_447 = tpu.memref_squeeze %dma_wait3A_446 : memref<1x8x128xf32, #tpu.memory_space<hbm>> -> memref<8x128xf32, #tpu.memory_space<hbm>>
      %dma_wait3A_448 = arith.constant 32 : i32
      %dma_wait3A_449 = arith.constant 0 : i32
      %dma_wait3A_450 = tpu.memref_slice %arg8[%dma_wait3A_448, %dma_wait3A_449] : memref<64x129xf32, #tpu.memory_space<vmem>> -> memref<8x128xf32, #tpu.memory_space<vmem>>
      tpu.wait_dma2 semaphore(%arg12 : memref<!tpu.dma_semaphore, #tpu.memory_space<semaphore_mem>>) src(%dma_wait3A_450 : memref<8x128xf32, #tpu.memory_space<vmem>>) dst(%dma_wait3A_447 : memref<8x128xf32, #tpu.memory_space<hbm>>)
      %dma_wait3A_451 = arith.constant 0 : i32
      %dma_wait3A_452 = arith.constant 40 : i32
      %dma_wait3A_453 = arith.constant 0 : i32
      %dma_wait3A_454 = tpu.memref_slice %arg8[%dma_wait3A_452, %dma_wait3A_453] : memref<64x129xf32, #tpu.memory_space<vmem>> -> memref<8x128xf32, #tpu.memory_space<vmem>>
      %dma_wait3A_455 = arith.constant 0 : i32
      %dma_wait3A_456 = arith.constant 0 : i32
      %dma_wait3A_457 = tpu.memref_slice %arg4[%dma_wait3A_451, %dma_wait3A_455, %dma_wait3A_456] : memref<51200x8x128xf32, #tpu.memory_space<hbm>> -> memref<1x8x128xf32, #tpu.memory_space<hbm>>
      %dma_wait3A_458 = tpu.memref_squeeze %dma_wait3A_457 : memref<1x8x128xf32, #tpu.memory_space<hbm>> -> memref<8x128xf32, #tpu.memory_space<hbm>>
      %dma_wait3A_459 = arith.constant 0 : i32
      %dma_wait3A_460 = arith.constant 0 : i32
      %dma_wait3A_461 = tpu.memref_slice %arg4[%dma_wait3A_451, %dma_wait3A_459, %dma_wait3A_460] : memref<51200x8x128xf32, #tpu.memory_space<hbm>> -> memref<1x8x128xf32, #tpu.memory_space<hbm>>
      %dma_wait3A_462 = tpu.memref_squeeze %dma_wait3A_461 : memref<1x8x128xf32, #tpu.memory_space<hbm>> -> memref<8x128xf32, #tpu.memory_space<hbm>>
      %dma_wait3A_463 = arith.constant 40 : i32
      %dma_wait3A_464 = arith.constant 0 : i32
      %dma_wait3A_465 = tpu.memref_slice %arg8[%dma_wait3A_463, %dma_wait3A_464] : memref<64x129xf32, #tpu.memory_space<vmem>> -> memref<8x128xf32, #tpu.memory_space<vmem>>
      tpu.wait_dma2 semaphore(%arg12 : memref<!tpu.dma_semaphore, #tpu.memory_space<semaphore_mem>>) src(%dma_wait3A_465 : memref<8x128xf32, #tpu.memory_space<vmem>>) dst(%dma_wait3A_462 : memref<8x128xf32, #tpu.memory_space<hbm>>)
      %dma_wait3A_466 = arith.constant 0 : i32
      %dma_wait3A_467 = arith.constant 48 : i32
      %dma_wait3A_468 = arith.constant 0 : i32
      %dma_wait3A_469 = tpu.memref_slice %arg8[%dma_wait3A_467, %dma_wait3A_468] : memref<64x129xf32, #tpu.memory_space<vmem>> -> memref<8x128xf32, #tpu.memory_space<vmem>>
      %dma_wait3A_470 = arith.constant 0 : i32
      %dma_wait3A_471 = arith.constant 0 : i32
      %dma_wait3A_472 = tpu.memref_slice %arg4[%dma_wait3A_466, %dma_wait3A_470, %dma_wait3A_471] : memref<51200x8x128xf32, #tpu.memory_space<hbm>> -> memref<1x8x128xf32, #tpu.memory_space<hbm>>
      %dma_wait3A_473 = tpu.memref_squeeze %dma_wait3A_472 : memref<1x8x128xf32, #tpu.memory_space<hbm>> -> memref<8x128xf32, #tpu.memory_space<hbm>>
      %dma_wait3A_474 = arith.constant 0 : i32
      %dma_wait3A_475 = arith.constant 0 : i32
      %dma_wait3A_476 = tpu.memref_slice %arg4[%dma_wait3A_466, %dma_wait3A_474, %dma_wait3A_475] : memref<51200x8x128xf32, #tpu.memory_space<hbm>> -> memref<1x8x128xf32, #tpu.memory_space<hbm>>
      %dma_wait3A_477 = tpu.memref_squeeze %dma_wait3A_476 : memref<1x8x128xf32, #tpu.memory_space<hbm>> -> memref<8x128xf32, #tpu.memory_space<hbm>>
      %dma_wait3A_478 = arith.constant 48 : i32
      %dma_wait3A_479 = arith.constant 0 : i32
      %dma_wait3A_480 = tpu.memref_slice %arg8[%dma_wait3A_478, %dma_wait3A_479] : memref<64x129xf32, #tpu.memory_space<vmem>> -> memref<8x128xf32, #tpu.memory_space<vmem>>
      tpu.wait_dma2 semaphore(%arg12 : memref<!tpu.dma_semaphore, #tpu.memory_space<semaphore_mem>>) src(%dma_wait3A_480 : memref<8x128xf32, #tpu.memory_space<vmem>>) dst(%dma_wait3A_477 : memref<8x128xf32, #tpu.memory_space<hbm>>)
      %dma_wait3A_481 = arith.constant 0 : i32
      %dma_wait3A_482 = arith.constant 56 : i32
      %dma_wait3A_483 = arith.constant 0 : i32
      %dma_wait3A_484 = tpu.memref_slice %arg8[%dma_wait3A_482, %dma_wait3A_483] : memref<64x129xf32, #tpu.memory_space<vmem>> -> memref<8x128xf32, #tpu.memory_space<vmem>>
      %dma_wait3A_485 = arith.constant 0 : i32
      %dma_wait3A_486 = arith.constant 0 : i32
      %dma_wait3A_487 = tpu.memref_slice %arg4[%dma_wait3A_481, %dma_wait3A_485, %dma_wait3A_486] : memref<51200x8x128xf32, #tpu.memory_space<hbm>> -> memref<1x8x128xf32, #tpu.memory_space<hbm>>
      %dma_wait3A_488 = tpu.memref_squeeze %dma_wait3A_487 : memref<1x8x128xf32, #tpu.memory_space<hbm>> -> memref<8x128xf32, #tpu.memory_space<hbm>>
      %dma_wait3A_489 = arith.constant 0 : i32
      %dma_wait3A_490 = arith.constant 0 : i32
      %dma_wait3A_491 = tpu.memref_slice %arg4[%dma_wait3A_481, %dma_wait3A_489, %dma_wait3A_490] : memref<51200x8x128xf32, #tpu.memory_space<hbm>> -> memref<1x8x128xf32, #tpu.memory_space<hbm>>
      %dma_wait3A_492 = tpu.memref_squeeze %dma_wait3A_491 : memref<1x8x128xf32, #tpu.memory_space<hbm>> -> memref<8x128xf32, #tpu.memory_space<hbm>>
      %dma_wait3A_493 = arith.constant 56 : i32
      %dma_wait3A_494 = arith.constant 0 : i32
      %dma_wait3A_495 = tpu.memref_slice %arg8[%dma_wait3A_493, %dma_wait3A_494] : memref<64x129xf32, #tpu.memory_space<vmem>> -> memref<8x128xf32, #tpu.memory_space<vmem>>
      tpu.wait_dma2 semaphore(%arg12 : memref<!tpu.dma_semaphore, #tpu.memory_space<semaphore_mem>>) src(%dma_wait3A_495 : memref<8x128xf32, #tpu.memory_space<vmem>>) dst(%dma_wait3A_492 : memref<8x128xf32, #tpu.memory_space<hbm>>)
      %lt3A_496 = arith.constant 99 : i32
      %lt3A_497 = arith.cmpi slt, %scan3A_146, %lt3A_496 : i32
      %convert_element_type3A_498 = arith.extui %lt3A_497 : i1 to i32
      %cond3A_499 = arith.constant 0 : i32
      %cond3A_500 = arith.cmpi ne, %convert_element_type3A_498, %cond3A_499 : i32
      scf.if %cond3A_500 {
        %add3A_720 = arith.constant 2 : i32
        %add3A_721 = arith.addi %mul3A_149, %add3A_720 : i32
        %mul3A_722 = arith.constant 128 : i32
        %mul3A_723 = arith.muli %add3A_721, %mul3A_722 : i32
        %dma_start3A_724 = tpu.memref_slice %arg5[%mul3A_723] : memref<25600xi32, #tpu.memory_space<vmem>> -> memref<128xi32, #tpu.memory_space<vmem>>
        %dma_start3A_725 = arith.constant 0 : i32
        %dma_start3A_726 = arith.constant 0 : i32
        %dma_start3A_727 = tpu.memref_slice %arg3[%dma_start3A_725, %dma_start3A_726] : memref<1000000x128xf32, #tpu.memory_space<hbm>> -> memref<1000000x128xf32, #tpu.memory_space<hbm>>
        tpu.enqueue_indirect_dma source(%dma_start3A_727 : memref<1000000x128xf32, #tpu.memory_space<hbm>>) target(%arg6 : memref<128x128xf32, #tpu.memory_space<vmem>>) offsets(%dma_start3A_724 : memref<128xi32, #tpu.memory_space<vmem>>) semaphore(%arg10 : memref<!tpu.dma_semaphore, #tpu.memory_space<semaphore_mem>>)
      } else {
      }
      %add3A_501 = arith.constant 1 : i32
      %add3A_502 = arith.addi %mul3A_149, %add3A_501 : i32
      %scan3A_503 = arith.constant 0 : i32
      %scan3A_504 = arith.constant 0 : i32
      %scan3A_505 = arith.constant 128 : i32
      %scan3A_506 = arith.addi %scan3A_504, %scan3A_505 : i32
      %scan3A_507 = arith.constant 4 : i32
      %scan3A_508 = scf.for %scan3A_720 = %scan3A_504 to %scan3A_506 step %scan3A_507 iter_args(%scan3A_721 = %scan3A_503) -> (i32)  : i32 {
        %broadcast_in_dim3A = arith.constant 0 : i32
        %broadcast_in_dim3A_722 = vector.broadcast %broadcast_in_dim3A : i32 to vector<16xi32>
        %add3A_723 = vector.broadcast %scan3A_720 : i32 to vector<16xi32>
        %add3A_724 = arith.addi %broadcast_in_dim3A_722, %add3A_723 : vector<16xi32>
        %get3A = arith.index_cast %scan3A_720 : i32 to index
        %get3A_725 = arith.constant 0 : index
        %get3A_726 = tpu.vector_load %arg7[%get3A, %get3A_725] {strides = array<i32>} : memref<128x128xf32, #tpu.memory_space<vmem>>, vector<16xf32>,
        tpu.vector_store_idx %arg9[%add3A_7, %add3A_724], %get3A_726 : memref<64x129xf32, #tpu.memory_space<vmem>>[vector<16xi32>, vector<16xi32>], vector<16xf32>,
        %get3A_727 = arith.index_cast %scan3A_720 : i32 to index
        %get3A_728 = arith.constant 16 : index
        %get3A_729 = tpu.vector_load %arg7[%get3A_727, %get3A_728] {strides = array<i32>} : memref<128x128xf32, #tpu.memory_space<vmem>>, vector<16xf32>,
        tpu.vector_store_idx %arg9[%add3A_10, %add3A_724], %get3A_729 : memref<64x129xf32, #tpu.memory_space<vmem>>[vector<16xi32>, vector<16xi32>], vector<16xf32>,
        %get3A_730 = arith.index_cast %scan3A_720 : i32 to index
        %get3A_731 = arith.constant 32 : index
        %get3A_732 = tpu.vector_load %arg7[%get3A_730, %get3A_731] {strides = array<i32>} : memref<128x128xf32, #tpu.memory_space<vmem>>, vector<16xf32>,
        tpu.vector_store_idx %arg9[%add3A_13, %add3A_724], %get3A_732 : memref<64x129xf32, #tpu.memory_space<vmem>>[vector<16xi32>, vector<16xi32>], vector<16xf32>,
        %get3A_733 = arith.index_cast %scan3A_720 : i32 to index
        %get3A_734 = arith.constant 48 : index
        %get3A_735 = tpu.vector_load %arg7[%get3A_733, %get3A_734] {strides = array<i32>} : memref<128x128xf32, #tpu.memory_space<vmem>>, vector<16xf32>,
        tpu.vector_store_idx %arg9[%add3A_16, %add3A_724], %get3A_735 : memref<64x129xf32, #tpu.memory_space<vmem>>[vector<16xi32>, vector<16xi32>], vector<16xf32>,
        %scan3A_736 = arith.constant 0 : i32
        %scan3A_737 = arith.constant 1 : i32
        %scan3A_738 = arith.addi %scan3A_720, %scan3A_737 : i32
        %broadcast_in_dim3A_739 = arith.constant 0 : i32
        %broadcast_in_dim3A_740 = vector.broadcast %broadcast_in_dim3A_739 : i32 to vector<16xi32>
        %add3A_741 = vector.broadcast %scan3A_738 : i32 to vector<16xi32>
        %add3A_742 = arith.addi %broadcast_in_dim3A_740, %add3A_741 : vector<16xi32>
        %get3A_743 = arith.index_cast %scan3A_738 : i32 to index
        %get3A_744 = arith.constant 0 : index
        %get3A_745 = tpu.vector_load %arg7[%get3A_743, %get3A_744] {strides = array<i32>} : memref<128x128xf32, #tpu.memory_space<vmem>>, vector<16xf32>,
        tpu.vector_store_idx %arg9[%add3A_7, %add3A_742], %get3A_745 : memref<64x129xf32, #tpu.memory_space<vmem>>[vector<16xi32>, vector<16xi32>], vector<16xf32>,
        %get3A_746 = arith.index_cast %scan3A_738 : i32 to index
        %get3A_747 = arith.constant 16 : index
        %get3A_748 = tpu.vector_load %arg7[%get3A_746, %get3A_747] {strides = array<i32>} : memref<128x128xf32, #tpu.memory_space<vmem>>, vector<16xf32>,
        tpu.vector_store_idx %arg9[%add3A_10, %add3A_742], %get3A_748 : memref<64x129xf32, #tpu.memory_space<vmem>>[vector<16xi32>, vector<16xi32>], vector<16xf32>,
        %get3A_749 = arith.index_cast %scan3A_738 : i32 to index
        %get3A_750 = arith.constant 32 : index
        %get3A_751 = tpu.vector_load %arg7[%get3A_749, %get3A_750] {strides = array<i32>} : memref<128x128xf32, #tpu.memory_space<vmem>>, vector<16xf32>,
        tpu.vector_store_idx %arg9[%add3A_13, %add3A_742], %get3A_751 : memref<64x129xf32, #tpu.memory_space<vmem>>[vector<16xi32>, vector<16xi32>], vector<16xf32>,
        %get3A_752 = arith.index_cast %scan3A_738 : i32 to index
        %get3A_753 = arith.constant 48 : index
        %get3A_754 = tpu.vector_load %arg7[%get3A_752, %get3A_753] {strides = array<i32>} : memref<128x128xf32, #tpu.memory_space<vmem>>, vector<16xf32>,
        tpu.vector_store_idx %arg9[%add3A_16, %add3A_742], %get3A_754 : memref<64x129xf32, #tpu.memory_space<vmem>>[vector<16xi32>, vector<16xi32>], vector<16xf32>,
        %scan3A_755 = arith.constant 0 : i32
        %scan3A_756 = arith.constant 2 : i32
        %scan3A_757 = arith.addi %scan3A_720, %scan3A_756 : i32
        %broadcast_in_dim3A_758 = arith.constant 0 : i32
        %broadcast_in_dim3A_759 = vector.broadcast %broadcast_in_dim3A_758 : i32 to vector<16xi32>
        %add3A_760 = vector.broadcast %scan3A_757 : i32 to vector<16xi32>
        %add3A_761 = arith.addi %broadcast_in_dim3A_759, %add3A_760 : vector<16xi32>
        %get3A_762 = arith.index_cast %scan3A_757 : i32 to index
        %get3A_763 = arith.constant 0 : index
        %get3A_764 = tpu.vector_load %arg7[%get3A_762, %get3A_763] {strides = array<i32>} : memref<128x128xf32, #tpu.memory_space<vmem>>, vector<16xf32>,
        tpu.vector_store_idx %arg9[%add3A_7, %add3A_761], %get3A_764 : memref<64x129xf32, #tpu.memory_space<vmem>>[vector<16xi32>, vector<16xi32>], vector<16xf32>,
        %get3A_765 = arith.index_cast %scan3A_757 : i32 to index
        %get3A_766 = arith.constant 16 : index
        %get3A_767 = tpu.vector_load %arg7[%get3A_765, %get3A_766] {strides = array<i32>} : memref<128x128xf32, #tpu.memory_space<vmem>>, vector<16xf32>,
        tpu.vector_store_idx %arg9[%add3A_10, %add3A_761], %get3A_767 : memref<64x129xf32, #tpu.memory_space<vmem>>[vector<16xi32>, vector<16xi32>], vector<16xf32>,
        %get3A_768 = arith.index_cast %scan3A_757 : i32 to index
        %get3A_769 = arith.constant 32 : index
        %get3A_770 = tpu.vector_load %arg7[%get3A_768, %get3A_769] {strides = array<i32>} : memref<128x128xf32, #tpu.memory_space<vmem>>, vector<16xf32>,
        tpu.vector_store_idx %arg9[%add3A_13, %add3A_761], %get3A_770 : memref<64x129xf32, #tpu.memory_space<vmem>>[vector<16xi32>, vector<16xi32>], vector<16xf32>,
        %get3A_771 = arith.index_cast %scan3A_757 : i32 to index
        %get3A_772 = arith.constant 48 : index
        %get3A_773 = tpu.vector_load %arg7[%get3A_771, %get3A_772] {strides = array<i32>} : memref<128x128xf32, #tpu.memory_space<vmem>>, vector<16xf32>,
        tpu.vector_store_idx %arg9[%add3A_16, %add3A_761], %get3A_773 : memref<64x129xf32, #tpu.memory_space<vmem>>[vector<16xi32>, vector<16xi32>], vector<16xf32>,
        %scan3A_774 = arith.constant 0 : i32
        %scan3A_775 = arith.constant 3 : i32
        %scan3A_776 = arith.addi %scan3A_720, %scan3A_775 : i32
        %broadcast_in_dim3A_777 = arith.constant 0 : i32
        %broadcast_in_dim3A_778 = vector.broadcast %broadcast_in_dim3A_777 : i32 to vector<16xi32>
        %add3A_779 = vector.broadcast %scan3A_776 : i32 to vector<16xi32>
        %add3A_780 = arith.addi %broadcast_in_dim3A_778, %add3A_779 : vector<16xi32>
        %get3A_781 = arith.index_cast %scan3A_776 : i32 to index
        %get3A_782 = arith.constant 0 : index
        %get3A_783 = tpu.vector_load %arg7[%get3A_781, %get3A_782] {strides = array<i32>} : memref<128x128xf32, #tpu.memory_space<vmem>>, vector<16xf32>,
        tpu.vector_store_idx %arg9[%add3A_7, %add3A_780], %get3A_783 : memref<64x129xf32, #tpu.memory_space<vmem>>[vector<16xi32>, vector<16xi32>], vector<16xf32>,
        %get3A_784 = arith.index_cast %scan3A_776 : i32 to index
        %get3A_785 = arith.constant 16 : index
        %get3A_786 = tpu.vector_load %arg7[%get3A_784, %get3A_785] {strides = array<i32>} : memref<128x128xf32, #tpu.memory_space<vmem>>, vector<16xf32>,
        tpu.vector_store_idx %arg9[%add3A_10, %add3A_780], %get3A_786 : memref<64x129xf32, #tpu.memory_space<vmem>>[vector<16xi32>, vector<16xi32>], vector<16xf32>,
        %get3A_787 = arith.index_cast %scan3A_776 : i32 to index
        %get3A_788 = arith.constant 32 : index
        %get3A_789 = tpu.vector_load %arg7[%get3A_787, %get3A_788] {strides = array<i32>} : memref<128x128xf32, #tpu.memory_space<vmem>>, vector<16xf32>,
        tpu.vector_store_idx %arg9[%add3A_13, %add3A_780], %get3A_789 : memref<64x129xf32, #tpu.memory_space<vmem>>[vector<16xi32>, vector<16xi32>], vector<16xf32>,
        %get3A_790 = arith.index_cast %scan3A_776 : i32 to index
        %get3A_791 = arith.constant 48 : index
        %get3A_792 = tpu.vector_load %arg7[%get3A_790, %get3A_791] {strides = array<i32>} : memref<128x128xf32, #tpu.memory_space<vmem>>, vector<16xf32>,
        tpu.vector_store_idx %arg9[%add3A_16, %add3A_780], %get3A_792 : memref<64x129xf32, #tpu.memory_space<vmem>>[vector<16xi32>, vector<16xi32>], vector<16xf32>,
        %scan3A_793 = arith.constant 0 : i32
        scf.yield %scan3A_793 : i32
      }
      %scan3A_509 = arith.constant 128 : i32
      %add3A_510 = arith.addi %mul3A_4, %add3A_502 : i32
      %jit3A_511 = arith.constant 128 : i32
      %div3A_512 = arith.divsi %add3A_510, %jit3A_511 : i32
      %sign3A_513 = arith.constant 0 : i32
      %sign3A_514 = arith.cmpi sgt, %add3A_510, %sign3A_513 : i32
      %sign3A_515 = arith.extui %sign3A_514 : i1 to i32
      %sign3A_516 = arith.constant 0 : i32
      %sign3A_517 = arith.cmpi slt, %add3A_510, %sign3A_516 : i32
      %sign3A_518 = arith.extui %sign3A_517 : i1 to i32
      %sign3A_519 = arith.subi %sign3A_515, %sign3A_518 : i32
      %sign3A_520 = arith.constant 0 : i32
      %sign3A_521 = arith.cmpi sgt, %jit3A_511, %sign3A_520 : i32
      %sign3A_522 = arith.extui %sign3A_521 : i1 to i32
      %sign3A_523 = arith.constant 0 : i32
      %sign3A_524 = arith.cmpi slt, %jit3A_511, %sign3A_523 : i32
      %sign3A_525 = arith.extui %sign3A_524 : i1 to i32
      %sign3A_526 = arith.subi %sign3A_522, %sign3A_525 : i32
      %ne3A_527 = arith.cmpi ne, %sign3A_519, %sign3A_526 : i32
      %rem3A_528 = arith.remsi %add3A_510, %jit3A_511 : i32
      %ne3A_529 = arith.constant 0 : i32
      %ne3A_530 = arith.cmpi ne, %rem3A_528, %ne3A_529 : i32
      %and3A_531 = arith.andi %ne3A_527, %ne3A_530 : i1
      %sub3A_532 = arith.constant 1 : i32
      %sub3A_533 = arith.subi %div3A_512, %sub3A_532 : i32
      %select_n3A_534 = arith.select %and3A_531, %sub3A_533, %div3A_512 : i32
      %jit3A_535 = arith.constant 128 : i32
      %eq3A_536 = arith.constant 0 : i32
      %eq3A_537 = arith.cmpi eq, %jit3A_535, %eq3A_536 : i32
      %jit3A_538 = arith.constant 1 : i32
      %select_n3A_539 = arith.select %eq3A_537, %jit3A_538, %jit3A_535 : i32
      %rem3A_540 = arith.remsi %add3A_510, %select_n3A_539 : i32
      %ne3A_541 = arith.constant 0 : i32
      %ne3A_542 = arith.cmpi ne, %rem3A_540, %ne3A_541 : i32
      %lt3A_543 = arith.constant 0 : i32
      %lt3A_544 = arith.cmpi slt, %rem3A_540, %lt3A_543 : i32
      %lt3A_545 = arith.constant 0 : i32
      %lt3A_546 = arith.cmpi slt, %select_n3A_539, %lt3A_545 : i32
      %ne3A_547 = arith.xori %lt3A_544, %lt3A_546 : i1
      %and3A_548 = arith.andi %ne3A_547, %ne3A_542 : i1
      %add3A_549 = arith.addi %rem3A_540, %select_n3A_539 : i32
      %select_n3A_550 = arith.select %and3A_548, %add3A_549, %rem3A_540 : i32
      %mul3A_551 = arith.constant 8 : i32
      %mul3A_552 = arith.muli %select_n3A_534, %mul3A_551 : i32
      %add3A_553 = arith.constant 0 : i32
      %add3A_554 = arith.addi %mul3A_552, %add3A_553 : i32
      %mul3A_555 = arith.constant 128 : i32
      %mul3A_556 = arith.muli %add3A_554, %mul3A_555 : i32
      %add3A_557 = arith.addi %mul3A_556, %select_n3A_550 : i32
      %dma_start3A_558 = arith.constant 0 : i32
      %dma_start3A_559 = arith.constant 0 : i32
      %dma_start3A_560 = tpu.memref_slice %arg9[%dma_start3A_558, %dma_start3A_559] : memref<64x129xf32, #tpu.memory_space<vmem>> -> memref<8x128xf32, #tpu.memory_space<vmem>>
      %dma_start3A_561 = arith.constant 0 : i32
      %dma_start3A_562 = arith.constant 0 : i32
      %dma_start3A_563 = tpu.memref_slice %arg4[%add3A_557, %dma_start3A_561, %dma_start3A_562] : memref<51200x8x128xf32, #tpu.memory_space<hbm>> -> memref<1x8x128xf32, #tpu.memory_space<hbm>>
      %dma_start3A_564 = tpu.memref_squeeze %dma_start3A_563 : memref<1x8x128xf32, #tpu.memory_space<hbm>> -> memref<8x128xf32, #tpu.memory_space<hbm>>
      %dma_start3A_565 = arith.constant 0 : i32
      %dma_start3A_566 = arith.constant 0 : i32
      %dma_start3A_567 = tpu.memref_slice %arg4[%add3A_557, %dma_start3A_565, %dma_start3A_566] : memref<51200x8x128xf32, #tpu.memory_space<hbm>> -> memref<1x8x128xf32, #tpu.memory_space<hbm>>
      %dma_start3A_568 = tpu.memref_squeeze %dma_start3A_567 : memref<1x8x128xf32, #tpu.memory_space<hbm>> -> memref<8x128xf32, #tpu.memory_space<hbm>>
      %dma_start3A_569 = arith.constant 0 : i32
      %dma_start3A_570 = arith.constant 0 : i32
      %dma_start3A_571 = tpu.memref_slice %arg9[%dma_start3A_569, %dma_start3A_570] : memref<64x129xf32, #tpu.memory_space<vmem>> -> memref<8x128xf32, #tpu.memory_space<vmem>>
      tpu.enqueue_dma source(%dma_start3A_571 : memref<8x128xf32, #tpu.memory_space<vmem>>) target(%dma_start3A_568 : memref<8x128xf32, #tpu.memory_space<hbm>>) target_semaphore(%arg13 : memref<!tpu.dma_semaphore, #tpu.memory_space<semaphore_mem>>)
      %mul3A_572 = arith.constant 8 : i32
      %mul3A_573 = arith.muli %select_n3A_534, %mul3A_572 : i32
      %add3A_574 = arith.constant 1 : i32
      %add3A_575 = arith.addi %mul3A_573, %add3A_574 : i32
      %mul3A_576 = arith.constant 128 : i32
      %mul3A_577 = arith.muli %add3A_575, %mul3A_576 : i32
      %add3A_578 = arith.addi %mul3A_577, %select_n3A_550 : i32
      %dma_start3A_579 = arith.constant 8 : i32
      %dma_start3A_580 = arith.constant 0 : i32
      %dma_start3A_581 = tpu.memref_slice %arg9[%dma_start3A_579, %dma_start3A_580] : memref<64x129xf32, #tpu.memory_space<vmem>> -> memref<8x128xf32, #tpu.memory_space<vmem>>
      %dma_start3A_582 = arith.constant 0 : i32
      %dma_start3A_583 = arith.constant 0 : i32
      %dma_start3A_584 = tpu.memref_slice %arg4[%add3A_578, %dma_start3A_582, %dma_start3A_583] : memref<51200x8x128xf32, #tpu.memory_space<hbm>> -> memref<1x8x128xf32, #tpu.memory_space<hbm>>
      %dma_start3A_585 = tpu.memref_squeeze %dma_start3A_584 : memref<1x8x128xf32, #tpu.memory_space<hbm>> -> memref<8x128xf32, #tpu.memory_space<hbm>>
      %dma_start3A_586 = arith.constant 0 : i32
      %dma_start3A_587 = arith.constant 0 : i32
      %dma_start3A_588 = tpu.memref_slice %arg4[%add3A_578, %dma_start3A_586, %dma_start3A_587] : memref<51200x8x128xf32, #tpu.memory_space<hbm>> -> memref<1x8x128xf32, #tpu.memory_space<hbm>>
      %dma_start3A_589 = tpu.memref_squeeze %dma_start3A_588 : memref<1x8x128xf32, #tpu.memory_space<hbm>> -> memref<8x128xf32, #tpu.memory_space<hbm>>
      %dma_start3A_590 = arith.constant 8 : i32
      %dma_start3A_591 = arith.constant 0 : i32
      %dma_start3A_592 = tpu.memref_slice %arg9[%dma_start3A_590, %dma_start3A_591] : memref<64x129xf32, #tpu.memory_space<vmem>> -> memref<8x128xf32, #tpu.memory_space<vmem>>
      tpu.enqueue_dma source(%dma_start3A_592 : memref<8x128xf32, #tpu.memory_space<vmem>>) target(%dma_start3A_589 : memref<8x128xf32, #tpu.memory_space<hbm>>) target_semaphore(%arg13 : memref<!tpu.dma_semaphore, #tpu.memory_space<semaphore_mem>>)
      %mul3A_593 = arith.constant 8 : i32
      %mul3A_594 = arith.muli %select_n3A_534, %mul3A_593 : i32
      %add3A_595 = arith.constant 2 : i32
      %add3A_596 = arith.addi %mul3A_594, %add3A_595 : i32
      %mul3A_597 = arith.constant 128 : i32
      %mul3A_598 = arith.muli %add3A_596, %mul3A_597 : i32
      %add3A_599 = arith.addi %mul3A_598, %select_n3A_550 : i32
      %dma_start3A_600 = arith.constant 16 : i32
      %dma_start3A_601 = arith.constant 0 : i32
      %dma_start3A_602 = tpu.memref_slice %arg9[%dma_start3A_600, %dma_start3A_601] : memref<64x129xf32, #tpu.memory_space<vmem>> -> memref<8x128xf32, #tpu.memory_space<vmem>>
      %dma_start3A_603 = arith.constant 0 : i32
      %dma_start3A_604 = arith.constant 0 : i32
      %dma_start3A_605 = tpu.memref_slice %arg4[%add3A_599, %dma_start3A_603, %dma_start3A_604] : memref<51200x8x128xf32, #tpu.memory_space<hbm>> -> memref<1x8x128xf32, #tpu.memory_space<hbm>>
      %dma_start3A_606 = tpu.memref_squeeze %dma_start3A_605 : memref<1x8x128xf32, #tpu.memory_space<hbm>> -> memref<8x128xf32, #tpu.memory_space<hbm>>
      %dma_start3A_607 = arith.constant 0 : i32
      %dma_start3A_608 = arith.constant 0 : i32
      %dma_start3A_609 = tpu.memref_slice %arg4[%add3A_599, %dma_start3A_607, %dma_start3A_608] : memref<51200x8x128xf32, #tpu.memory_space<hbm>> -> memref<1x8x128xf32, #tpu.memory_space<hbm>>
      %dma_start3A_610 = tpu.memref_squeeze %dma_start3A_609 : memref<1x8x128xf32, #tpu.memory_space<hbm>> -> memref<8x128xf32, #tpu.memory_space<hbm>>
      %dma_start3A_611 = arith.constant 16 : i32
      %dma_start3A_612 = arith.constant 0 : i32
      %dma_start3A_613 = tpu.memref_slice %arg9[%dma_start3A_611, %dma_start3A_612] : memref<64x129xf32, #tpu.memory_space<vmem>> -> memref<8x128xf32, #tpu.memory_space<vmem>>
      tpu.enqueue_dma source(%dma_start3A_613 : memref<8x128xf32, #tpu.memory_space<vmem>>) target(%dma_start3A_610 : memref<8x128xf32, #tpu.memory_space<hbm>>) target_semaphore(%arg13 : memref<!tpu.dma_semaphore, #tpu.memory_space<semaphore_mem>>)
      %mul3A_614 = arith.constant 8 : i32
      %mul3A_615 = arith.muli %select_n3A_534, %mul3A_614 : i32
      %add3A_616 = arith.constant 3 : i32
      %add3A_617 = arith.addi %mul3A_615, %add3A_616 : i32
      %mul3A_618 = arith.constant 128 : i32
      %mul3A_619 = arith.muli %add3A_617, %mul3A_618 : i32
      %add3A_620 = arith.addi %mul3A_619, %select_n3A_550 : i32
      %dma_start3A_621 = arith.constant 24 : i32
      %dma_start3A_622 = arith.constant 0 : i32
      %dma_start3A_623 = tpu.memref_slice %arg9[%dma_start3A_621, %dma_start3A_622] : memref<64x129xf32, #tpu.memory_space<vmem>> -> memref<8x128xf32, #tpu.memory_space<vmem>>
      %dma_start3A_624 = arith.constant 0 : i32
      %dma_start3A_625 = arith.constant 0 : i32
      %dma_start3A_626 = tpu.memref_slice %arg4[%add3A_620, %dma_start3A_624, %dma_start3A_625] : memref<51200x8x128xf32, #tpu.memory_space<hbm>> -> memref<1x8x128xf32, #tpu.memory_space<hbm>>
      %dma_start3A_627 = tpu.memref_squeeze %dma_start3A_626 : memref<1x8x128xf32, #tpu.memory_space<hbm>> -> memref<8x128xf32, #tpu.memory_space<hbm>>
      %dma_start3A_628 = arith.constant 0 : i32
      %dma_start3A_629 = arith.constant 0 : i32
      %dma_start3A_630 = tpu.memref_slice %arg4[%add3A_620, %dma_start3A_628, %dma_start3A_629] : memref<51200x8x128xf32, #tpu.memory_space<hbm>> -> memref<1x8x128xf32, #tpu.memory_space<hbm>>
      %dma_start3A_631 = tpu.memref_squeeze %dma_start3A_630 : memref<1x8x128xf32, #tpu.memory_space<hbm>> -> memref<8x128xf32, #tpu.memory_space<hbm>>
      %dma_start3A_632 = arith.constant 24 : i32
      %dma_start3A_633 = arith.constant 0 : i32
      %dma_start3A_634 = tpu.memref_slice %arg9[%dma_start3A_632, %dma_start3A_633] : memref<64x129xf32, #tpu.memory_space<vmem>> -> memref<8x128xf32, #tpu.memory_space<vmem>>
      tpu.enqueue_dma source(%dma_start3A_634 : memref<8x128xf32, #tpu.memory_space<vmem>>) target(%dma_start3A_631 : memref<8x128xf32, #tpu.memory_space<hbm>>) target_semaphore(%arg13 : memref<!tpu.dma_semaphore, #tpu.memory_space<semaphore_mem>>)
      %mul3A_635 = arith.constant 8 : i32
      %mul3A_636 = arith.muli %select_n3A_534, %mul3A_635 : i32
      %add3A_637 = arith.constant 4 : i32
      %add3A_638 = arith.addi %mul3A_636, %add3A_637 : i32
      %mul3A_639 = arith.constant 128 : i32
      %mul3A_640 = arith.muli %add3A_638, %mul3A_639 : i32
      %add3A_641 = arith.addi %mul3A_640, %select_n3A_550 : i32
      %dma_start3A_642 = arith.constant 32 : i32
      %dma_start3A_643 = arith.constant 0 : i32
      %dma_start3A_644 = tpu.memref_slice %arg9[%dma_start3A_642, %dma_start3A_643] : memref<64x129xf32, #tpu.memory_space<vmem>> -> memref<8x128xf32, #tpu.memory_space<vmem>>
      %dma_start3A_645 = arith.constant 0 : i32
      %dma_start3A_646 = arith.constant 0 : i32
      %dma_start3A_647 = tpu.memref_slice %arg4[%add3A_641, %dma_start3A_645, %dma_start3A_646] : memref<51200x8x128xf32, #tpu.memory_space<hbm>> -> memref<1x8x128xf32, #tpu.memory_space<hbm>>
      %dma_start3A_648 = tpu.memref_squeeze %dma_start3A_647 : memref<1x8x128xf32, #tpu.memory_space<hbm>> -> memref<8x128xf32, #tpu.memory_space<hbm>>
      %dma_start3A_649 = arith.constant 0 : i32
      %dma_start3A_650 = arith.constant 0 : i32
      %dma_start3A_651 = tpu.memref_slice %arg4[%add3A_641, %dma_start3A_649, %dma_start3A_650] : memref<51200x8x128xf32, #tpu.memory_space<hbm>> -> memref<1x8x128xf32, #tpu.memory_space<hbm>>
      %dma_start3A_652 = tpu.memref_squeeze %dma_start3A_651 : memref<1x8x128xf32, #tpu.memory_space<hbm>> -> memref<8x128xf32, #tpu.memory_space<hbm>>
      %dma_start3A_653 = arith.constant 32 : i32
      %dma_start3A_654 = arith.constant 0 : i32
      %dma_start3A_655 = tpu.memref_slice %arg9[%dma_start3A_653, %dma_start3A_654] : memref<64x129xf32, #tpu.memory_space<vmem>> -> memref<8x128xf32, #tpu.memory_space<vmem>>
      tpu.enqueue_dma source(%dma_start3A_655 : memref<8x128xf32, #tpu.memory_space<vmem>>) target(%dma_start3A_652 : memref<8x128xf32, #tpu.memory_space<hbm>>) target_semaphore(%arg13 : memref<!tpu.dma_semaphore, #tpu.memory_space<semaphore_mem>>)
      %mul3A_656 = arith.constant 8 : i32
      %mul3A_657 = arith.muli %select_n3A_534, %mul3A_656 : i32
      %add3A_658 = arith.constant 5 : i32
      %add3A_659 = arith.addi %mul3A_657, %add3A_658 : i32
      %mul3A_660 = arith.constant 128 : i32
      %mul3A_661 = arith.muli %add3A_659, %mul3A_660 : i32
      %add3A_662 = arith.addi %mul3A_661, %select_n3A_550 : i32
      %dma_start3A_663 = arith.constant 40 : i32
      %dma_start3A_664 = arith.constant 0 : i32
      %dma_start3A_665 = tpu.memref_slice %arg9[%dma_start3A_663, %dma_start3A_664] : memref<64x129xf32, #tpu.memory_space<vmem>> -> memref<8x128xf32, #tpu.memory_space<vmem>>
      %dma_start3A_666 = arith.constant 0 : i32
      %dma_start3A_667 = arith.constant 0 : i32
      %dma_start3A_668 = tpu.memref_slice %arg4[%add3A_662, %dma_start3A_666, %dma_start3A_667] : memref<51200x8x128xf32, #tpu.memory_space<hbm>> -> memref<1x8x128xf32, #tpu.memory_space<hbm>>
      %dma_start3A_669 = tpu.memref_squeeze %dma_start3A_668 : memref<1x8x128xf32, #tpu.memory_space<hbm>> -> memref<8x128xf32, #tpu.memory_space<hbm>>
      %dma_start3A_670 = arith.constant 0 : i32
      %dma_start3A_671 = arith.constant 0 : i32
      %dma_start3A_672 = tpu.memref_slice %arg4[%add3A_662, %dma_start3A_670, %dma_start3A_671] : memref<51200x8x128xf32, #tpu.memory_space<hbm>> -> memref<1x8x128xf32, #tpu.memory_space<hbm>>
      %dma_start3A_673 = tpu.memref_squeeze %dma_start3A_672 : memref<1x8x128xf32, #tpu.memory_space<hbm>> -> memref<8x128xf32, #tpu.memory_space<hbm>>
      %dma_start3A_674 = arith.constant 40 : i32
      %dma_start3A_675 = arith.constant 0 : i32
      %dma_start3A_676 = tpu.memref_slice %arg9[%dma_start3A_674, %dma_start3A_675] : memref<64x129xf32, #tpu.memory_space<vmem>> -> memref<8x128xf32, #tpu.memory_space<vmem>>
      tpu.enqueue_dma source(%dma_start3A_676 : memref<8x128xf32, #tpu.memory_space<vmem>>) target(%dma_start3A_673 : memref<8x128xf32, #tpu.memory_space<hbm>>) target_semaphore(%arg13 : memref<!tpu.dma_semaphore, #tpu.memory_space<semaphore_mem>>)
      %mul3A_677 = arith.constant 8 : i32
      %mul3A_678 = arith.muli %select_n3A_534, %mul3A_677 : i32
      %add3A_679 = arith.constant 6 : i32
      %add3A_680 = arith.addi %mul3A_678, %add3A_679 : i32
      %mul3A_681 = arith.constant 128 : i32
      %mul3A_682 = arith.muli %add3A_680, %mul3A_681 : i32
      %add3A_683 = arith.addi %mul3A_682, %select_n3A_550 : i32
      %dma_start3A_684 = arith.constant 48 : i32
      %dma_start3A_685 = arith.constant 0 : i32
      %dma_start3A_686 = tpu.memref_slice %arg9[%dma_start3A_684, %dma_start3A_685] : memref<64x129xf32, #tpu.memory_space<vmem>> -> memref<8x128xf32, #tpu.memory_space<vmem>>
      %dma_start3A_687 = arith.constant 0 : i32
      %dma_start3A_688 = arith.constant 0 : i32
      %dma_start3A_689 = tpu.memref_slice %arg4[%add3A_683, %dma_start3A_687, %dma_start3A_688] : memref<51200x8x128xf32, #tpu.memory_space<hbm>> -> memref<1x8x128xf32, #tpu.memory_space<hbm>>
      %dma_start3A_690 = tpu.memref_squeeze %dma_start3A_689 : memref<1x8x128xf32, #tpu.memory_space<hbm>> -> memref<8x128xf32, #tpu.memory_space<hbm>>
      %dma_start3A_691 = arith.constant 0 : i32
      %dma_start3A_692 = arith.constant 0 : i32
      %dma_start3A_693 = tpu.memref_slice %arg4[%add3A_683, %dma_start3A_691, %dma_start3A_692] : memref<51200x8x128xf32, #tpu.memory_space<hbm>> -> memref<1x8x128xf32, #tpu.memory_space<hbm>>
      %dma_start3A_694 = tpu.memref_squeeze %dma_start3A_693 : memref<1x8x128xf32, #tpu.memory_space<hbm>> -> memref<8x128xf32, #tpu.memory_space<hbm>>
      %dma_start3A_695 = arith.constant 48 : i32
      %dma_start3A_696 = arith.constant 0 : i32
      %dma_start3A_697 = tpu.memref_slice %arg9[%dma_start3A_695, %dma_start3A_696] : memref<64x129xf32, #tpu.memory_space<vmem>> -> memref<8x128xf32, #tpu.memory_space<vmem>>
      tpu.enqueue_dma source(%dma_start3A_697 : memref<8x128xf32, #tpu.memory_space<vmem>>) target(%dma_start3A_694 : memref<8x128xf32, #tpu.memory_space<hbm>>) target_semaphore(%arg13 : memref<!tpu.dma_semaphore, #tpu.memory_space<semaphore_mem>>)
      %mul3A_698 = arith.constant 8 : i32
      %mul3A_699 = arith.muli %select_n3A_534, %mul3A_698 : i32
      %add3A_700 = arith.constant 7 : i32
      %add3A_701 = arith.addi %mul3A_699, %add3A_700 : i32
      %mul3A_702 = arith.constant 128 : i32
      %mul3A_703 = arith.muli %add3A_701, %mul3A_702 : i32
      %add3A_704 = arith.addi %mul3A_703, %select_n3A_550 : i32
      %dma_start3A_705 = arith.constant 56 : i32
      %dma_start3A_706 = arith.constant 0 : i32
      %dma_start3A_707 = tpu.memref_slice %arg9[%dma_start3A_705, %dma_start3A_706] : memref<64x129xf32, #tpu.memory_space<vmem>> -> memref<8x128xf32, #tpu.memory_space<vmem>>
      %dma_start3A_708 = arith.constant 0 : i32
      %dma_start3A_709 = arith.constant 0 : i32
      %dma_start3A_710 = tpu.memref_slice %arg4[%add3A_704, %dma_start3A_708, %dma_start3A_709] : memref<51200x8x128xf32, #tpu.memory_space<hbm>> -> memref<1x8x128xf32, #tpu.memory_space<hbm>>
      %dma_start3A_711 = tpu.memref_squeeze %dma_start3A_710 : memref<1x8x128xf32, #tpu.memory_space<hbm>> -> memref<8x128xf32, #tpu.memory_space<hbm>>
      %dma_start3A_712 = arith.constant 0 : i32
      %dma_start3A_713 = arith.constant 0 : i32
      %dma_start3A_714 = tpu.memref_slice %arg4[%add3A_704, %dma_start3A_712, %dma_start3A_713] : memref<51200x8x128xf32, #tpu.memory_space<hbm>> -> memref<1x8x128xf32, #tpu.memory_space<hbm>>
      %dma_start3A_715 = tpu.memref_squeeze %dma_start3A_714 : memref<1x8x128xf32, #tpu.memory_space<hbm>> -> memref<8x128xf32, #tpu.memory_space<hbm>>
      %dma_start3A_716 = arith.constant 56 : i32
      %dma_start3A_717 = arith.constant 0 : i32
      %dma_start3A_718 = tpu.memref_slice %arg9[%dma_start3A_716, %dma_start3A_717] : memref<64x129xf32, #tpu.memory_space<vmem>> -> memref<8x128xf32, #tpu.memory_space<vmem>>
      tpu.enqueue_dma source(%dma_start3A_718 : memref<8x128xf32, #tpu.memory_space<vmem>>) target(%dma_start3A_715 : memref<8x128xf32, #tpu.memory_space<hbm>>) target_semaphore(%arg13 : memref<!tpu.dma_semaphore, #tpu.memory_space<semaphore_mem>>)
      %scan3A_719 = arith.constant 0 : i32
      scf.yield %scan3A_719 : i32
    }
    %scan3A_26 = arith.constant 100 : i32
    %dma_wait3A = arith.constant 0 : i32
    %dma_wait3A_27 = arith.constant 0 : i32
    %dma_wait3A_28 = arith.constant 0 : i32
    %dma_wait3A_29 = tpu.memref_slice %arg9[%dma_wait3A_27, %dma_wait3A_28] : memref<64x129xf32, #tpu.memory_space<vmem>> -> memref<8x128xf32, #tpu.memory_space<vmem>>
    %dma_wait3A_30 = arith.constant 0 : i32
    %dma_wait3A_31 = arith.constant 0 : i32
    %dma_wait3A_32 = tpu.memref_slice %arg4[%dma_wait3A, %dma_wait3A_30, %dma_wait3A_31] : memref<51200x8x128xf32, #tpu.memory_space<hbm>> -> memref<1x8x128xf32, #tpu.memory_space<hbm>>
    %dma_wait3A_33 = tpu.memref_squeeze %dma_wait3A_32 : memref<1x8x128xf32, #tpu.memory_space<hbm>> -> memref<8x128xf32, #tpu.memory_space<hbm>>
    %dma_wait3A_34 = arith.constant 0 : i32
    %dma_wait3A_35 = arith.constant 0 : i32
    %dma_wait3A_36 = tpu.memref_slice %arg4[%dma_wait3A, %dma_wait3A_34, %dma_wait3A_35] : memref<51200x8x128xf32, #tpu.memory_space<hbm>> -> memref<1x8x128xf32, #tpu.memory_space<hbm>>
    %dma_wait3A_37 = tpu.memref_squeeze %dma_wait3A_36 : memref<1x8x128xf32, #tpu.memory_space<hbm>> -> memref<8x128xf32, #tpu.memory_space<hbm>>
    %dma_wait3A_38 = arith.constant 0 : i32
    %dma_wait3A_39 = arith.constant 0 : i32
    %dma_wait3A_40 = tpu.memref_slice %arg9[%dma_wait3A_38, %dma_wait3A_39] : memref<64x129xf32, #tpu.memory_space<vmem>> -> memref<8x128xf32, #tpu.memory_space<vmem>>
    tpu.wait_dma2 semaphore(%arg13 : memref<!tpu.dma_semaphore, #tpu.memory_space<semaphore_mem>>) src(%dma_wait3A_40 : memref<8x128xf32, #tpu.memory_space<vmem>>) dst(%dma_wait3A_37 : memref<8x128xf32, #tpu.memory_space<hbm>>)
    %dma_wait3A_41 = arith.constant 0 : i32
    %dma_wait3A_42 = arith.constant 8 : i32
    %dma_wait3A_43 = arith.constant 0 : i32
    %dma_wait3A_44 = tpu.memref_slice %arg9[%dma_wait3A_42, %dma_wait3A_43] : memref<64x129xf32, #tpu.memory_space<vmem>> -> memref<8x128xf32, #tpu.memory_space<vmem>>
    %dma_wait3A_45 = arith.constant 0 : i32
    %dma_wait3A_46 = arith.constant 0 : i32
    %dma_wait3A_47 = tpu.memref_slice %arg4[%dma_wait3A_41, %dma_wait3A_45, %dma_wait3A_46] : memref<51200x8x128xf32, #tpu.memory_space<hbm>> -> memref<1x8x128xf32, #tpu.memory_space<hbm>>
    %dma_wait3A_48 = tpu.memref_squeeze %dma_wait3A_47 : memref<1x8x128xf32, #tpu.memory_space<hbm>> -> memref<8x128xf32, #tpu.memory_space<hbm>>
    %dma_wait3A_49 = arith.constant 0 : i32
    %dma_wait3A_50 = arith.constant 0 : i32
    %dma_wait3A_51 = tpu.memref_slice %arg4[%dma_wait3A_41, %dma_wait3A_49, %dma_wait3A_50] : memref<51200x8x128xf32, #tpu.memory_space<hbm>> -> memref<1x8x128xf32, #tpu.memory_space<hbm>>
    %dma_wait3A_52 = tpu.memref_squeeze %dma_wait3A_51 : memref<1x8x128xf32, #tpu.memory_space<hbm>> -> memref<8x128xf32, #tpu.memory_space<hbm>>
    %dma_wait3A_53 = arith.constant 8 : i32
    %dma_wait3A_54 = arith.constant 0 : i32
    %dma_wait3A_55 = tpu.memref_slice %arg9[%dma_wait3A_53, %dma_wait3A_54] : memref<64x129xf32, #tpu.memory_space<vmem>> -> memref<8x128xf32, #tpu.memory_space<vmem>>
    tpu.wait_dma2 semaphore(%arg13 : memref<!tpu.dma_semaphore, #tpu.memory_space<semaphore_mem>>) src(%dma_wait3A_55 : memref<8x128xf32, #tpu.memory_space<vmem>>) dst(%dma_wait3A_52 : memref<8x128xf32, #tpu.memory_space<hbm>>)
    %dma_wait3A_56 = arith.constant 0 : i32
    %dma_wait3A_57 = arith.constant 16 : i32
    %dma_wait3A_58 = arith.constant 0 : i32
    %dma_wait3A_59 = tpu.memref_slice %arg9[%dma_wait3A_57, %dma_wait3A_58] : memref<64x129xf32, #tpu.memory_space<vmem>> -> memref<8x128xf32, #tpu.memory_space<vmem>>
    %dma_wait3A_60 = arith.constant 0 : i32
    %dma_wait3A_61 = arith.constant 0 : i32
    %dma_wait3A_62 = tpu.memref_slice %arg4[%dma_wait3A_56, %dma_wait3A_60, %dma_wait3A_61] : memref<51200x8x128xf32, #tpu.memory_space<hbm>> -> memref<1x8x128xf32, #tpu.memory_space<hbm>>
    %dma_wait3A_63 = tpu.memref_squeeze %dma_wait3A_62 : memref<1x8x128xf32, #tpu.memory_space<hbm>> -> memref<8x128xf32, #tpu.memory_space<hbm>>
    %dma_wait3A_64 = arith.constant 0 : i32
    %dma_wait3A_65 = arith.constant 0 : i32
    %dma_wait3A_66 = tpu.memref_slice %arg4[%dma_wait3A_56, %dma_wait3A_64, %dma_wait3A_65] : memref<51200x8x128xf32, #tpu.memory_space<hbm>> -> memref<1x8x128xf32, #tpu.memory_space<hbm>>
    %dma_wait3A_67 = tpu.memref_squeeze %dma_wait3A_66 : memref<1x8x128xf32, #tpu.memory_space<hbm>> -> memref<8x128xf32, #tpu.memory_space<hbm>>
    %dma_wait3A_68 = arith.constant 16 : i32
    %dma_wait3A_69 = arith.constant 0 : i32
    %dma_wait3A_70 = tpu.memref_slice %arg9[%dma_wait3A_68, %dma_wait3A_69] : memref<64x129xf32, #tpu.memory_space<vmem>> -> memref<8x128xf32, #tpu.memory_space<vmem>>
    tpu.wait_dma2 semaphore(%arg13 : memref<!tpu.dma_semaphore, #tpu.memory_space<semaphore_mem>>) src(%dma_wait3A_70 : memref<8x128xf32, #tpu.memory_space<vmem>>) dst(%dma_wait3A_67 : memref<8x128xf32, #tpu.memory_space<hbm>>)
    %dma_wait3A_71 = arith.constant 0 : i32
    %dma_wait3A_72 = arith.constant 24 : i32
    %dma_wait3A_73 = arith.constant 0 : i32
    %dma_wait3A_74 = tpu.memref_slice %arg9[%dma_wait3A_72, %dma_wait3A_73] : memref<64x129xf32, #tpu.memory_space<vmem>> -> memref<8x128xf32, #tpu.memory_space<vmem>>
    %dma_wait3A_75 = arith.constant 0 : i32
    %dma_wait3A_76 = arith.constant 0 : i32
    %dma_wait3A_77 = tpu.memref_slice %arg4[%dma_wait3A_71, %dma_wait3A_75, %dma_wait3A_76] : memref<51200x8x128xf32, #tpu.memory_space<hbm>> -> memref<1x8x128xf32, #tpu.memory_space<hbm>>
    %dma_wait3A_78 = tpu.memref_squeeze %dma_wait3A_77 : memref<1x8x128xf32, #tpu.memory_space<hbm>> -> memref<8x128xf32, #tpu.memory_space<hbm>>
    %dma_wait3A_79 = arith.constant 0 : i32
    %dma_wait3A_80 = arith.constant 0 : i32
    %dma_wait3A_81 = tpu.memref_slice %arg4[%dma_wait3A_71, %dma_wait3A_79, %dma_wait3A_80] : memref<51200x8x128xf32, #tpu.memory_space<hbm>> -> memref<1x8x128xf32, #tpu.memory_space<hbm>>
    %dma_wait3A_82 = tpu.memref_squeeze %dma_wait3A_81 : memref<1x8x128xf32, #tpu.memory_space<hbm>> -> memref<8x128xf32, #tpu.memory_space<hbm>>
    %dma_wait3A_83 = arith.constant 24 : i32
    %dma_wait3A_84 = arith.constant 0 : i32
    %dma_wait3A_85 = tpu.memref_slice %arg9[%dma_wait3A_83, %dma_wait3A_84] : memref<64x129xf32, #tpu.memory_space<vmem>> -> memref<8x128xf32, #tpu.memory_space<vmem>>
    tpu.wait_dma2 semaphore(%arg13 : memref<!tpu.dma_semaphore, #tpu.memory_space<semaphore_mem>>) src(%dma_wait3A_85 : memref<8x128xf32, #tpu.memory_space<vmem>>) dst(%dma_wait3A_82 : memref<8x128xf32, #tpu.memory_space<hbm>>)
    %dma_wait3A_86 = arith.constant 0 : i32
    %dma_wait3A_87 = arith.constant 32 : i32
    %dma_wait3A_88 = arith.constant 0 : i32
    %dma_wait3A_89 = tpu.memref_slice %arg9[%dma_wait3A_87, %dma_wait3A_88] : memref<64x129xf32, #tpu.memory_space<vmem>> -> memref<8x128xf32, #tpu.memory_space<vmem>>
    %dma_wait3A_90 = arith.constant 0 : i32
    %dma_wait3A_91 = arith.constant 0 : i32
    %dma_wait3A_92 = tpu.memref_slice %arg4[%dma_wait3A_86, %dma_wait3A_90, %dma_wait3A_91] : memref<51200x8x128xf32, #tpu.memory_space<hbm>> -> memref<1x8x128xf32, #tpu.memory_space<hbm>>
    %dma_wait3A_93 = tpu.memref_squeeze %dma_wait3A_92 : memref<1x8x128xf32, #tpu.memory_space<hbm>> -> memref<8x128xf32, #tpu.memory_space<hbm>>
    %dma_wait3A_94 = arith.constant 0 : i32
    %dma_wait3A_95 = arith.constant 0 : i32
    %dma_wait3A_96 = tpu.memref_slice %arg4[%dma_wait3A_86, %dma_wait3A_94, %dma_wait3A_95] : memref<51200x8x128xf32, #tpu.memory_space<hbm>> -> memref<1x8x128xf32, #tpu.memory_space<hbm>>
    %dma_wait3A_97 = tpu.memref_squeeze %dma_wait3A_96 : memref<1x8x128xf32, #tpu.memory_space<hbm>> -> memref<8x128xf32, #tpu.memory_space<hbm>>
    %dma_wait3A_98 = arith.constant 32 : i32
    %dma_wait3A_99 = arith.constant 0 : i32
    %dma_wait3A_100 = tpu.memref_slice %arg9[%dma_wait3A_98, %dma_wait3A_99] : memref<64x129xf32, #tpu.memory_space<vmem>> -> memref<8x128xf32, #tpu.memory_space<vmem>>
    tpu.wait_dma2 semaphore(%arg13 : memref<!tpu.dma_semaphore, #tpu.memory_space<semaphore_mem>>) src(%dma_wait3A_100 : memref<8x128xf32, #tpu.memory_space<vmem>>) dst(%dma_wait3A_97 : memref<8x128xf32, #tpu.memory_space<hbm>>)
    %dma_wait3A_101 = arith.constant 0 : i32
    %dma_wait3A_102 = arith.constant 40 : i32
    %dma_wait3A_103 = arith.constant 0 : i32
    %dma_wait3A_104 = tpu.memref_slice %arg9[%dma_wait3A_102, %dma_wait3A_103] : memref<64x129xf32, #tpu.memory_space<vmem>> -> memref<8x128xf32, #tpu.memory_space<vmem>>
    %dma_wait3A_105 = arith.constant 0 : i32
    %dma_wait3A_106 = arith.constant 0 : i32
    %dma_wait3A_107 = tpu.memref_slice %arg4[%dma_wait3A_101, %dma_wait3A_105, %dma_wait3A_106] : memref<51200x8x128xf32, #tpu.memory_space<hbm>> -> memref<1x8x128xf32, #tpu.memory_space<hbm>>
    %dma_wait3A_108 = tpu.memref_squeeze %dma_wait3A_107 : memref<1x8x128xf32, #tpu.memory_space<hbm>> -> memref<8x128xf32, #tpu.memory_space<hbm>>
    %dma_wait3A_109 = arith.constant 0 : i32
    %dma_wait3A_110 = arith.constant 0 : i32
    %dma_wait3A_111 = tpu.memref_slice %arg4[%dma_wait3A_101, %dma_wait3A_109, %dma_wait3A_110] : memref<51200x8x128xf32, #tpu.memory_space<hbm>> -> memref<1x8x128xf32, #tpu.memory_space<hbm>>
    %dma_wait3A_112 = tpu.memref_squeeze %dma_wait3A_111 : memref<1x8x128xf32, #tpu.memory_space<hbm>> -> memref<8x128xf32, #tpu.memory_space<hbm>>
    %dma_wait3A_113 = arith.constant 40 : i32
    %dma_wait3A_114 = arith.constant 0 : i32
    %dma_wait3A_115 = tpu.memref_slice %arg9[%dma_wait3A_113, %dma_wait3A_114] : memref<64x129xf32, #tpu.memory_space<vmem>> -> memref<8x128xf32, #tpu.memory_space<vmem>>
    tpu.wait_dma2 semaphore(%arg13 : memref<!tpu.dma_semaphore, #tpu.memory_space<semaphore_mem>>) src(%dma_wait3A_115 : memref<8x128xf32, #tpu.memory_space<vmem>>) dst(%dma_wait3A_112 : memref<8x128xf32, #tpu.memory_space<hbm>>)
    %dma_wait3A_116 = arith.constant 0 : i32
    %dma_wait3A_117 = arith.constant 48 : i32
    %dma_wait3A_118 = arith.constant 0 : i32
    %dma_wait3A_119 = tpu.memref_slice %arg9[%dma_wait3A_117, %dma_wait3A_118] : memref<64x129xf32, #tpu.memory_space<vmem>> -> memref<8x128xf32, #tpu.memory_space<vmem>>
    %dma_wait3A_120 = arith.constant 0 : i32
    %dma_wait3A_121 = arith.constant 0 : i32
    %dma_wait3A_122 = tpu.memref_slice %arg4[%dma_wait3A_116, %dma_wait3A_120, %dma_wait3A_121] : memref<51200x8x128xf32, #tpu.memory_space<hbm>> -> memref<1x8x128xf32, #tpu.memory_space<hbm>>
    %dma_wait3A_123 = tpu.memref_squeeze %dma_wait3A_122 : memref<1x8x128xf32, #tpu.memory_space<hbm>> -> memref<8x128xf32, #tpu.memory_space<hbm>>
    %dma_wait3A_124 = arith.constant 0 : i32
    %dma_wait3A_125 = arith.constant 0 : i32
    %dma_wait3A_126 = tpu.memref_slice %arg4[%dma_wait3A_116, %dma_wait3A_124, %dma_wait3A_125] : memref<51200x8x128xf32, #tpu.memory_space<hbm>> -> memref<1x8x128xf32, #tpu.memory_space<hbm>>
    %dma_wait3A_127 = tpu.memref_squeeze %dma_wait3A_126 : memref<1x8x128xf32, #tpu.memory_space<hbm>> -> memref<8x128xf32, #tpu.memory_space<hbm>>
    %dma_wait3A_128 = arith.constant 48 : i32
    %dma_wait3A_129 = arith.constant 0 : i32
    %dma_wait3A_130 = tpu.memref_slice %arg9[%dma_wait3A_128, %dma_wait3A_129] : memref<64x129xf32, #tpu.memory_space<vmem>> -> memref<8x128xf32, #tpu.memory_space<vmem>>
    tpu.wait_dma2 semaphore(%arg13 : memref<!tpu.dma_semaphore, #tpu.memory_space<semaphore_mem>>) src(%dma_wait3A_130 : memref<8x128xf32, #tpu.memory_space<vmem>>) dst(%dma_wait3A_127 : memref<8x128xf32, #tpu.memory_space<hbm>>)
    %dma_wait3A_131 = arith.constant 0 : i32
    %dma_wait3A_132 = arith.constant 56 : i32
    %dma_wait3A_133 = arith.constant 0 : i32
    %dma_wait3A_134 = tpu.memref_slice %arg9[%dma_wait3A_132, %dma_wait3A_133] : memref<64x129xf32, #tpu.memory_space<vmem>> -> memref<8x128xf32, #tpu.memory_space<vmem>>
    %dma_wait3A_135 = arith.constant 0 : i32
    %dma_wait3A_136 = arith.constant 0 : i32
    %dma_wait3A_137 = tpu.memref_slice %arg4[%dma_wait3A_131, %dma_wait3A_135, %dma_wait3A_136] : memref<51200x8x128xf32, #tpu.memory_space<hbm>> -> memref<1x8x128xf32, #tpu.memory_space<hbm>>
    %dma_wait3A_138 = tpu.memref_squeeze %dma_wait3A_137 : memref<1x8x128xf32, #tpu.memory_space<hbm>> -> memref<8x128xf32, #tpu.memory_space<hbm>>
    %dma_wait3A_139 = arith.constant 0 : i32
    %dma_wait3A_140 = arith.constant 0 : i32
    %dma_wait3A_141 = tpu.memref_slice %arg4[%dma_wait3A_131, %dma_wait3A_139, %dma_wait3A_140] : memref<51200x8x128xf32, #tpu.memory_space<hbm>> -> memref<1x8x128xf32, #tpu.memory_space<hbm>>
    %dma_wait3A_142 = tpu.memref_squeeze %dma_wait3A_141 : memref<1x8x128xf32, #tpu.memory_space<hbm>> -> memref<8x128xf32, #tpu.memory_space<hbm>>
    %dma_wait3A_143 = arith.constant 56 : i32
    %dma_wait3A_144 = arith.constant 0 : i32
    %dma_wait3A_145 = tpu.memref_slice %arg9[%dma_wait3A_143, %dma_wait3A_144] : memref<64x129xf32, #tpu.memory_space<vmem>> -> memref<8x128xf32, #tpu.memory_space<vmem>>
    tpu.wait_dma2 semaphore(%arg13 : memref<!tpu.dma_semaphore, #tpu.memory_space<semaphore_mem>>) src(%dma_wait3A_145 : memref<8x128xf32, #tpu.memory_space<vmem>>) dst(%dma_wait3A_142 : memref<8x128xf32, #tpu.memory_space<hbm>>)
    return
  }
}

module attributes {stable_mosaic.version = 14 : i64} {
  func.func @body(%arg0: i32, %arg1: memref<64x8192xf32, #tpu.memory_space<vmem>>, %arg2: memref<16x8192xf32, #tpu.memory_space<vmem>>, %arg3: memref<16x64xf32, #tpu.memory_space<vmem>>, %arg4: memref<8192x128xf32, #tpu.memory_space<vmem>>) attributes {dimension_semantics = [#tpu.dimension_semantics<arbitrary>], iteration_bounds = array<i64: 123>, scalar_prefetch = 0 : i64, scratch_operands = 0 : i64, tpu.core_type = #tpu.core_type<tc>, window_params = [{transform_indices = @transform_0, window_bounds = array<i64: 64, 8192>}, {transform_indices = @transform_1, window_bounds = array<i64: 16, 8192>}, {pipeline_mode = #tpu.pipeline_mode<synchronous>, transform_indices = @transform_2, window_bounds = array<i64: 16, 64>}, {transform_indices = @transform_3, window_bounds = array<i64: 8192, 128>}]} {
    %get3A = arith.constant 0 : index
    %get3A_0 = arith.constant 0 : index
    %get3A_1 = vector.load %arg3[%get3A, %get3A_0] : memref<16x64xf32, #tpu.memory_space<vmem>>, vector<16x64xf32>
    %get3A_2 = arith.constant 0 : index
    %get3A_3 = arith.constant 0 : index
    %get3A_4 = vector.load %arg2[%get3A_2, %get3A_3] : memref<16x8192xf32, #tpu.memory_space<vmem>>, vector<16x8192xf32>
    %dot_general3A = arith.constant dense<0.000000e+00> : vector<64x8192xf32>
    %dot_general3A_5 = tpu.matmul %get3A_1, %get3A_4, %dot_general3A {dimension_numbers = #tpu.dot_dimension_numbers<[0], [0], [1], [1], [0, 1, 1, 1], [], []>, transpose_lhs_hint = false} : vector<16x64xf32>, vector<16x8192xf32>, vector<64x8192xf32> -> vector<64x8192xf32>
    %get3A_6 = arith.constant 0 : index
    %get3A_7 = arith.constant 0 : index
    %get3A_8 = vector.load %arg1[%get3A_6, %get3A_7] : memref<64x8192xf32, #tpu.memory_space<vmem>>, vector<64x8192xf32>
    %mul3A = arith.constant 1.000000e+00 : f32
    %mul3A_9 = vector.broadcast %mul3A : f32 to vector<64x8192xf32>
    %mul3A_10 = arith.mulf %dot_general3A_5, %mul3A_9 : vector<64x8192xf32>
    %add3A = arith.addf %get3A_8, %mul3A_10 : vector<64x8192xf32>
    %transpose3A = tpu.transpose %add3A, [1, 0] : vector<64x8192xf32> -> vector<8192x64xf32>
    %swap3A = arith.constant 0 : index
    %swap3A_11 = arith.constant 0 : index
    %swap3A_12 = vector.load %arg4[%swap3A, %swap3A_11] : memref<8192x128xf32, #tpu.memory_space<vmem>>, vector<8192x64xf32>
    tpu.vector_store %arg4[%swap3A, %swap3A_11], %transpose3A {strides = array<i32>} : memref<8192x128xf32, #tpu.memory_space<vmem>>, vector<8192x64xf32>,
    return
  }
  func.func @transform_0(%arg0: i32) -> (i32, i32) {
    %c0_i32 = arith.constant 0 : i32
    %c0_i32_0 = arith.constant 0 : i32
    return %c0_i32, %arg0 : i32, i32
  }
  func.func @transform_1(%arg0: i32) -> (i32, i32) {
    %c0_i32 = arith.constant 0 : i32
    %c0_i32_0 = arith.constant 0 : i32
    return %c0_i32, %arg0 : i32, i32
  }
  func.func @transform_2(%arg0: i32) -> (i32, i32) {
    %c0_i32 = arith.constant 0 : i32
    %c0_i32_0 = arith.constant 0 : i32
    %c0_i32_1 = arith.constant 0 : i32
    return %c0_i32, %c0_i32_0 : i32, i32
  }
  func.func @transform_3(%arg0: i32) -> (i32, i32) {
    %c0_i32 = arith.constant 0 : i32
    %c0_i32_0 = arith.constant 0 : i32
    return %arg0, %c0_i32 : i32, i32
  }
}

</mosaic_0001>

<sc_bundles>
// kernel: kernel.4.cloned.1.call-start
scs
__scs_entry_jumppad:
0x0: {  	(pc) =	sbr.rel $0x88, $3  }
0x1: {  	(tag) =	ssettag $0x0;
	lr =	simm.s32 $0x1  }
0x2: {  	[smem:$0x3F9D] =	sst lr;
	_ =	strace $0xD0000000  }
0x3: {  	_ = 	snop  }
0x4: {  	_ = 	snop  }
0x5: {  	_ = 	snop  }
0x6: {  	_ = 	snop  }
0x7: {  	_ = 	snop  }
__scs_overlays_trampoline_lowered:
0x8: {  	[smem:$0x3FAC] =	sst s0  }
0x9: {  	[smem:$0x3FAD] =	sst s1  }
0xa: {  	[smem:$0x3FAE] =	sst s2  }
0xb: {  	[smem:$0x3FAF] =	sst s3  }
0xc: {  	[smem:$0x3FB0] =	sst s4  }
0xd: {  	[smem:$0x3FB1] =	sst s5  }
0xe: {  	[smem:$0x3FB2] =	sst s6  }
0xf: {  	[smem:$0x3FB3] =	sst s7  }
0x10: {  	[smem:$0x3FB4] =	sst s8  }
0x11: {  	[smem:$0x3FB5] =	sst s9;
	s0 =	simm.s32 @!p0 $0x0  }
0x12: {  	s1 =	sld [smem:$0x3F9B];
	s0 =	simm.s32 @p0 $0x1  }
0x13: {  	[smem:$0x3FB6] =	sst s0;
	s0 =	simm.s32 @!p1 $0x0  }
0x14: {  	s2 =	sld [smem:$0x3F9A];
	s0 =	simm.s32 @p1 $0x1  }
0x15: {  	[smem:$0x3FB7] =	sst s0;
	s0 =	simm.s32 @!p2 $0x0  }
0x16: {  	s3 =	sld [smem:$0x3FDB];
	s0 =	simm.s32 @p2 $0x1  }
0x17: {  	s4 =	simm.s32 $0x1BF5;
	[smem:$0x3FB9] =	sst s0  }
0x18: {  	s0 =	sld [smem:$0x3F9C];
	_ =	swait.ge [sflag:s4], $0x0  }
0x19: {  	s7 =	sld [smem:$0x3F9D]  }
0x1a: {  	s8 =	sadd.s32 $0xFFFFE003, lr  }
0x1b: {  	s9 =	sadd.s32 $0xFFFFFEF7, lr;
	s5 =	simm.s32 $0xFFFFFFFF;
	p2 =	slt.u32 s8, $0xFFFFF086  }
0x1c: {  	p1 =	slt.u32 s9, $0xF7A;
	s5 =	simm.s32 @!p2 $0x0  }
0x1d: {  	s5 =	simm.s32 @p1 $0x1;
	p0 =	seq.s32 s7, s2  }
0x1e: {  	s7 =	smul.u32 @!p0 $0xF7A, s2;
	p2 =	seq.s32 @!p0 s5, $0x0  }
0x1f: {  	s9 =	smul.u32 $0xF7A, s1;
	s8 =	simm.s32 @!p0 $0x1BF5;
	p2 =	por !p2, p0  }
0x20: {  	[sflag:s8] =	ssyncset.s32 @!p0 $0xFFFFF086;
	s6 =	sadd.s32 @!p0 s3, s7;
	s7 =	simm.s32 @!p0 $0x108  }
0x21: {  	s3 =	sadd.s32 s3, s9;
	s6 =	sadd.s32 @!p0 $0x88, s6;
	s7 =	simm.s32 @p2 $0x1082  }
0x22: {  	[simem:s7], [sflag:s8] =	dma.local @!p0 [hbm:s6], $0xF7A  }
0x23: {  	s9 =	sor.u32 $0xD0000000, s2;
	s6 =	simm.s32 $0x108;
	_ =	swait.ge @!p0 [sflag:s8], $0x0  }
0x24: {  	s3 =	sadd.s32 $0x88, s3;
	s6 =	simm.s32 @!p1 $0x1082;
	[sflag:s4] =	ssyncset.s32 $0xFFFFF086  }
0x25: {  	[simem:s6], [sflag:s4] =	dma.local [hbm:s3], $0xF7A  }
0x26: {  	[smem:$0x3F9D] =	sst s1;
	(tag) =	ssettag s2;
	_ =	strace s9  }
0x27: {  	s1 =	sld [smem:$0x3FAD]  }
0x28: {  	s2 =	sld [smem:$0x3FAE]  }
0x29: {  	s4 =	sld [smem:$0x3FB0]  }
0x2a: {  	p0 =	seq.s32 s5, $0x0;
	s5 =	sld [smem:$0x3FB1]  }
0x2b: {  	s6 =	sld [smem:$0x3FB2]  }
0x2c: {  	s7 =	sld [smem:$0x3FB3]  }
0x2d: {  	s3 =	simm.s32 $0x108;
	s8 =	sld [smem:$0x3FB4]  }
0x2e: {  	s3 =	simm.s32 @!p0 $0x1082;
	s9 =	sld [smem:$0x3FB5]  }
0x2f: {  	lr =	sadd.s32 s0, s3;
	s0 =	sld [smem:$0x3FAC]  }
0x30: {  	s3 =	sld [smem:$0x3FAF]  }
0x31: {  	[smem:$0x3FB8] =	sst s10  }
0x32: {  	s10 =	sld [smem:$0x3FB6];
	_ =	sdelay $0x3  }
0x33: {  	p0 =	seq.s32 s10, $0x1;
	s10 =	sld [smem:$0x3FB8];
	_ =	sdelay $0x3  }
0x34: {  	[smem:$0x3FB8] =	sst s10  }
0x35: {  	s10 =	sld [smem:$0x3FB7];
	_ =	sdelay $0x3  }
0x36: {  	p1 =	seq.s32 s10, $0x1;
	s10 =	sld [smem:$0x3FB8];
	_ =	sdelay $0x3  }
0x37: {  	[smem:$0x3FB8] =	sst s10  }
0x38: {  	s10 =	sld [smem:$0x3FB9]  }
0x39: {  	_ = 	snop;
	(pc) =	sbr.ind lr, $3  }
0x3a: {  	_ = 	snop  }
0x3b: {  	_ = 	snop  }
0x3c: {  	p2 =	seq.s32 s10, $0x1;
	s10 =	sld [smem:$0x3FB8]  }
0x3d: {  	_ =	shalt  }
0x3e: {  	_ =	shalt  }
0x3f: {  	_ =	shalt  }
0x40: {  	_ =	shalt  }
0x41: {  	_ =	shalt  }
0x42: {  	_ =	shalt  }
0x43: {  	_ =	shalt  }
0x44: {  	_ =	shalt  }
0x45: {  	_ =	shalt  }
0x46: {  	_ =	shalt  }
0x47: {  	_ =	shalt  }
0x48: {  	_ =	shalt  }
0x49: {  	_ =	shalt  }
0x4a: {  	_ =	shalt  }
0x4b: {  	_ =	shalt  }
0x4c: {  	_ =	shalt  }
0x4d: {  	_ =	shalt  }
0x4e: {  	_ =	shalt  }
0x4f: {  	_ =	shalt  }
0x50: {  	_ =	shalt  }
0x51: {  	_ =	shalt  }
0x52: {  	_ =	shalt  }
0x53: {  	_ =	shalt  }
0x54: {  	_ =	shalt  }
0x55: {  	_ =	shalt  }
0x56: {  	_ =	shalt  }
0x57: {  	_ =	shalt  }
0x58: {  	_ =	shalt  }
0x59: {  	_ =	shalt  }
0x5a: {  	_ =	shalt  }
0x5b: {  	_ =	shalt  }
0x5c: {  	_ =	shalt  }
0x5d: {  	_ =	shalt  }
0x5e: {  	_ =	shalt  }
0x5f: {  	_ =	shalt  }
0x60: {  	_ =	shalt  }
0x61: {  	_ =	shalt  }
0x62: {  	_ =	shalt  }
0x63: {  	_ =	shalt  }
0x64: {  	_ =	shalt  }
0x65: {  	_ =	shalt  }
0x66: {  	_ =	shalt  }
0x67: {  	_ =	shalt  }
0x68: {  	_ =	shalt  }
0x69: {  	_ =	shalt  }
0x6a: {  	_ =	shalt  }
0x6b: {  	_ =	shalt  }
0x6c: {  	_ =	shalt  }
0x6d: {  	_ =	shalt  }
0x6e: {  	_ =	shalt  }
0x6f: {  	_ =	shalt  }
0x70: {  	_ =	shalt  }
0x71: {  	_ =	shalt  }
0x72: {  	_ =	shalt  }
0x73: {  	_ =	shalt  }
0x74: {  	_ =	shalt  }
0x75: {  	_ =	shalt  }
0x76: {  	_ =	shalt  }
0x77: {  	_ =	shalt  }
0x78: {  	_ =	shalt  }
0x79: {  	_ =	shalt  }
0x7a: {  	_ =	shalt  }
0x7b: {  	_ =	shalt  }
0x7c: {  	_ =	shalt  }
0x7d: {  	_ =	shalt  }
0x7e: {  	_ =	shalt  }
0x7f: {  	_ =	shalt  }
0x80: {  	_ =	shalt  }
0x81: {  	_ =	shalt  }
0x82: {  	_ =	shalt  }
0x83: {  	_ =	shalt  }
0x84: {  	_ =	shalt  }
0x85: {  	_ =	shalt  }
0x86: {  	_ =	shalt  }
0x87: {  	_ =	shalt  }
.Lfunc_end0:
.L_simem_size_0:
called_computation_lowered:
.L_overlay_start_0:
0x88: {  	s2 =	sld [smem:$0x3FD9]  }
0x89: {  	s3 =	sld [smem:$0x3FFE];
	_ =	sdelay $0x1  }
0x8a: {  	s1 =	srdreg.scid  }
0x8b: {  	s0 =	sand.u32 $0x1, s1  }
0x8c: {  	s17 =	sshll.u32 s0, $0xA;
	s2 =	sadd.s32 s3, s2  }
0x8d: {  	s2 =	sadd.s32 s2, s17  }
0x8e: {  	[smem:$0x3FC4] =	sst s2  }
0x8f: {  	_ = 	snop  }
0x90: {  	s2 =	sld [smem:$0x3FD0];
	(tm) =	ssettm $0x1  }
0x91: {  	s18 =	sld [smem:$0x3FFB];
	_ =	sdelay $0x3  }
0x92: {  	_ =	strace s18  }
0x93: {  	s3 =	sld [smem:$0x3FFC];
	_ =	sdelay $0x3  }
0x94: {  	_ =	strace s3  }
0x95: {  	s3 =	sld [smem:$0x3FFD];
	_ =	sdelay $0x3  }
0x96: {  	_ =	strace s3  }
0x97: {  	_ =	strace $0x8FFFFFFF  }
0x98: {  	s19 =	sld [smem:$0x3FDB];
	_ =	sdelay $0x1  }
0x99: {  	s4 =	simm.s32 $_scs_section_size  }
0x9a: {  	s5 =	simm.s32 $_size__tile_overlayer_lowered;
	s6 =	simm.s32 $_tile_overlayer_lowered  }
0x9b: {  	s22 =	simm.s32 $0x1BFF;
	s21 =	sshll.u32 s6, $0x1;
	s3 =	sadd.s32 s4, s19  }
0x9c: {  	s7 =	simm.s32 $0x0;
	s20 =	sshll.u32 s5, $0x1;
	s5 =	sadd.s32 s21, s3  }
0x9d: {  	[timem:s7], [sflag:s22] =	dma.local [hbm:s5], s20  }
0x9e: {  	_ =	swait.ge [sflag:s22], s20  }
0x9f: {  	s4 =	ssub.s32 $0x0, s20;
	[sflag:s22] =	ssyncset.done $0x0  }
0xa0: {  	[sflag:s22] =	ssyncadd.s32 s4;
	_ =	sdelay $0x1  }
0xa1: {  	s23 =	simm.s32 $0x1B8B  }
0xa2: {  	_ =	swait.ge [sflag:s23], $0x1  }
0xa3: {  	[sflag:s23] =	ssyncset.done $0x0  }
0xa4: {  	s25 =	simm.s32 $0x1B8E;
	s24 =	sld [smem:$0x3FFE];
	[sflag:s23] =	ssyncadd.s32 $0xFFFFFFFF  }
0xa5: {  	s26 =	simm.s32 $execute0_lowered;
	[smem:$0x3FD2] =	sst s25  }
0xa6: {  	s5 =	sshll.u32 s26, $0x1;
	_ =	strace $0x80000046;
	[dreg:$0x1] =	wrdreg $0xFFFFFFFF  }
0xa7: {  	s28 =	simm.s32 $_size_execute0_lowered;
	s3 =	sadd.s32 s3, s5;
	[dreg:$0x0] =	wrdreg $0x0  }
0xa8: {  	s5 =	sshll.u32 s28, $0x1;
	[dreg:$0x2] =	wrdreg s3  }
0xa9: {  	[dreg:$0x3] =	wrdreg s5  }
0xaa: {  	[dreg:$0x4] =	wrdreg $0xC0  }
0xab: {  	_ =	task [dreg:s7], $0x5FFFF  }
0xac: {  	[dreg:$0x1] =	wrdreg $0xFFFFFFFF  }
0xad: {  	[dreg:$0x0] =	wrdreg $0x60  }
0xae: {  	[dreg:$0x2] =	wrdreg s24  }
0xaf: {  	[dreg:$0x3] =	wrdreg s2  }
0xb0: {  	[dreg:$0x4] =	wrdreg $0x9  }
0xb1: {  	_ =	task.clear_ibuf [dreg:s7], $0x5FFFF;
	_ =	strace $0x90000046  }
0xb2: {  	s29 =	simm.s32 $0x9;
	_ =	strace $0x80000048  }
0xb3: {  	_ =	swait.ge [sflag:s29], $0x1  }
0xb4: {  	[sflag:s29] =	ssyncadd.s32 $0xFFFFFFFF  }
0xb5: {  	_ =	strace $0x90000048  }
0xb6: {  	_ =	sfence  }
0xb7: {  	s30 =	sld [smem:$0x0];
	_ =	sdelay $0x2  }
0xb8: {  	s31 =	sshll.u32 s1, $0xD;
	s1 =	sshrl.u32 s1, $0x2  }
0xb9: {  	s3 =	sand.u32 $0x4000, s31;
	s1 =	sadd.s32 s1, s30  }
0xba: {  	s0 =	sor.u32 s3, s0;
	s1 =	sshll.u32 s1, $0x11  }
0xbb: {  	s0 =	sor.u32 s1, s0  }
0xbc: {  	s0 =	sadd.s32 $0x8F2B, s0  }
0xbd: {  	[sflag:s0] =	ssyncadd.remote.s32 $0x1  }
0xbe: {  	_ =	sfence.sel $0xFFFF  }
0xbf: {  	[dreg:$0x0] =	wrdreg $0xFFFFFFFF;
	(pc) =	sbr.abs _section_cstart, $3  }
0xc0: {  	[dreg:$0x1] =	wrdreg $0xFFFFFFFF  }
0xc1: {  	_ =	task.clear_ibuf [dreg:s7], $0x2FFFF;
	_ =	strace $0x9FFFFFFF  }
0xc2: {  	(tm) =	ssettm $0x7FFFFFFF  }
0xc3: {  	_ =	shalt  }
tec
execute0_lowered:
.L_overlay_start_1:
0x0: {  	(tag) =	ssettag $0x1  }
0x1: {  	s0 =	rddreg [dreg:$0x0]  }
0x2: {  	s1 =	srdreg.scid;
	s3 =	stileid.u32  }
0x3: {  	s2 =	rddreg [dreg:$0x1];
	s19 =	simm.s32 $0x1;
	s20 =	simm.s32 $0xE400  }
0x4: {  	s16 =	simm.s32 $0x3;
	s17 =	simm.s32 $0x10600;
	s28 =	simm.s32 $0x123C0  }
0x5: {  	s29 =	simm.s32 $0x12448;
	s30 =	simm.s32 $0x124D0;
	s31 =	simm.s32 $0x12558  }
0x6: {  	s14 =	simm.s32 $0x126F0;
	s15 =	simm.s32 $0x12778;
	s22 =	simm.s32 $0x0  }
0x7: {  	s1 =	sand.u32 $0x1, s1;
	s4 =	sshll.u32 s3, $0x1;
	s3 =	simm.s32 $0x0  }
0x8: {  	s8 =	sadd.s32 $0x8000, s2;
	s9 =	sadd.s32 $0xC000, s2;
	s10 =	sadd.s32 $0x10000, s2  }
0x9: {  	s11 =	sadd.s32 $0x14000, s2;
	s12 =	sadd.s32 $0x18000, s2;
	s13 =	sadd.s32 $0x1C000, s2  }
0xa: {  	s5 =	sor.u32 s1, s4;
	[smem:$0x7FF] =	sst s3;
	s1 =	ssub.s32 $0x2, s1  }
0xb: {  	s4 =	smul.u32 $0xC80, s5;
	_ =	strace $0x80000047;
	s6 =	sshrl.u32 s1, $0x1  }
0xc: {  	v0 =	vlaneseq.u32;
	s5 =	smul.u32 $0xC8, s5;
	s25 =	ssub.s32 s1, s6;
	s1 =	simm.s32 $0x125E0  }
0xd: {  	v0 =	vmul.u32 $0x88, v0;
	s7 =	sadd.s32 s4, s0;
	s4 =	sadd.s32 $0x19600, s0;
	s0 =	smax.u32 s25, $0x1  }
0xe: {  	s6 =	simm.s32 $0x12668;
	s26 =	sadd.s32 $0x600, s7;
	[dreg:$0x4] =	wrdreg s0  }
0xf: {  	v1 =	vadd.s32 $0x880, v0;
	v2 =	vadd.s32 $0x1100, v0;
	v3 =	vadd.s32 $0x1980, v0;
	s7 =	sadd.s32 $0x4000, s2;
	s0 =	simm.s32 $0x2;
	[dreg:$0x3] =	wrdreg s26  }
.LBB2_1:
0x10: {  	[dreg:$0x5] =	wrdreg s22  }
0x11: {  	s18 =	rddreg [dreg:$0x3];
	s25 =	simm.s32 $0x5  }
0x12: {  	[tilespmem:s3], [sflag:$0x5] =	stream.linear.gather [hbm4b:s18+s3], $0x6400, $0x38;
	[tilespmem:$0x12800] =	vst v63  }
0x13: {  	_ =	swait.ge [sflag:s25], $0x6400  }
0x14: {  	s26 =	simm.s32 $0x80;
	[sflag:s25] =	ssyncset.done $0x0  }
0x15: {  	s21 =	simm.s32 $0x6400;
	s18 =	simm.s32 $0x0;
	[sflag:s25] =	ssyncadd.s32 $0xFFFF9C00  }
0x16: {  	[tilespmem:s21], [sflag:$0x1] =	stream.indirect.gather [hbm4b:s4+s26], $0x80, s3, s26, $0xb8;
	[tilespmem:$0x12800] =	vst v63  }
.LBB2_2:
0x17: {  	p0 =	seq.s32 s18, $0x0  }
0x18: {  	s23 =	simm.s32 @!p0 $0x4  }
0x19: {  	_ =	swait.ge @!p0 [sflag:s23], $0x400  }
0x1a: {  	[sflag:s23] =	ssyncset.done @!p0 $0x0  }
0x1b: {  	[sflag:s23] =	ssyncadd.s32 @!p0 $0xFFFFFC00  }
0x1c: {  	_ =	swait.ge @!p0 [sflag:s23], $0x400  }
0x1d: {  	[sflag:s23] =	ssyncset.done @!p0 $0x0  }
0x1e: {  	[sflag:s23] =	ssyncadd.s32 @!p0 $0xFFFFFC00  }
0x1f: {  	_ =	swait.ge @!p0 [sflag:s23], $0x400  }
0x20: {  	[sflag:s23] =	ssyncset.done @!p0 $0x0  }
0x21: {  	[sflag:s23] =	ssyncadd.s32 @!p0 $0xFFFFFC00  }
0x22: {  	_ =	swait.ge @!p0 [sflag:s23], $0x400  }
0x23: {  	[sflag:s23] =	ssyncset.done @!p0 $0x0  }
0x24: {  	[sflag:s23] =	ssyncadd.s32 @!p0 $0xFFFFFC00  }
0x25: {  	_ =	swait.ge @!p0 [sflag:s23], $0x400  }
0x26: {  	[sflag:s23] =	ssyncset.done @!p0 $0x0  }
0x27: {  	[sflag:s23] =	ssyncadd.s32 @!p0 $0xFFFFFC00  }
0x28: {  	_ =	swait.ge @!p0 [sflag:s23], $0x400  }
0x29: {  	[sflag:s23] =	ssyncset.done @!p0 $0x0  }
0x2a: {  	[sflag:s23] =	ssyncadd.s32 @!p0 $0xFFFFFC00  }
0x2b: {  	_ =	swait.ge @!p0 [sflag:s23], $0x400  }
0x2c: {  	[sflag:s23] =	ssyncset.done @!p0 $0x0  }
0x2d: {  	s22 =	sshll.u32 s18, $0x1;
	[sflag:s23] =	ssyncadd.s32 @!p0 $0xFFFFFC00  }
0x2e: {  	s21 =	sor.u32 $0x1, s22;
	_ =	swait.ge @!p0 [sflag:s23], $0x400  }
0x2f: {  	s26 =	simm.s32 $0x80;
	s24 =	sshll.u32 s21, $0x7;
	[sflag:s23] =	ssyncset.done @!p0 $0x0  }
0x30: {  	s25 =	simm.s32 $0xA400;
	s24 =	sand.u32 $0x3FFFFF80, s24;
	[sflag:s23] =	ssyncadd.s32 @!p0 $0xFFFFFC00  }
0x31: {  	[tilespmem:s25], [sflag:$0x2] =	stream.indirect.gather [hbm4b:s4+s26], $0x80, s24, s26, $0xb8;
	[tilespmem:$0x12800] =	vst v63  }
0x32: {  	s25 =	simm.s32 $0x0;
	_ =	swait.ge [sflag:s19], $0x4000  }
0x33: {  	v4 =	vmov s25;
	[sflag:s19] =	ssyncset.done $0x0  }
0x34: {  	s23 =	simm.s32 $0x6500;
	v4 =	vand.u32 $0x7C, v4;
	[sflag:s19] =	ssyncadd.s32 $0xFFFFC000  }
0x35: {  	v6 =	vadd.s32 v0, v4;
	v5 =	vld [tilespmem:s23+$0xFFFFFF00];
	_ =	sdelay $0x4  }
0x36: {  	[tilespmem:v6+s20+$0x0] =	vst.idx.msk $0xffff, v5  }
0x37: {  	v6 =	vadd.s32 v1, v4;
	v5 =	vld [tilespmem:s23+$0xFFFFFF10];
	_ =	sdelay $0x4  }
0x38: {  	[tilespmem:v6+s20+$0x0] =	vst.idx.msk $0xffff, v5  }
0x39: {  	v6 =	vadd.s32 v2, v4;
	v5 =	vld [tilespmem:s23+$0xFFFFFF20];
	_ =	sdelay $0x4  }
0x3a: {  	[tilespmem:v6+s20+$0x0] =	vst.idx.msk $0xffff, v5  }
0x3b: {  	v4 =	vadd.s32 v3, v4;
	v5 =	vld [tilespmem:s23+$0xFFFFFF30];
	_ =	sdelay $0x2  }
0x3c: {  	s26 =	simm.s32 $0x1  }
0x3d: {  	v6 =	vmov s26  }
0x3e: {  	[tilespmem:v4+s20+$0x0] =	vst.idx.msk $0xffff, v5;
	v4 =	vand.u32 $0x7D, v6  }
0x3f: {  	v5 =	vld [tilespmem:s23+$0xFFFFFF80];
	v6 =	vadd.s32 v0, v4;
	_ =	sdelay $0x4  }
0x40: {  	[tilespmem:v6+s20+$0x0] =	vst.idx.msk $0xffff, v5  }
0x41: {  	v6 =	vadd.s32 v1, v4;
	v5 =	vld [tilespmem:s23+$0xFFFFFF90];
	_ =	sdelay $0x4  }
0x42: {  	[tilespmem:v6+s20+$0x0] =	vst.idx.msk $0xffff, v5  }
0x43: {  	v6 =	vadd.s32 v2, v4;
	v5 =	vld [tilespmem:s23+$0xFFFFFFA0];
	_ =	sdelay $0x4  }
0x44: {  	[tilespmem:v6+s20+$0x0] =	vst.idx.msk $0xffff, v5  }
0x45: {  	v4 =	vadd.s32 v3, v4;
	v5 =	vld [tilespmem:s23+$0xFFFFFFB0];
	_ =	sdelay $0x2  }
0x46: {  	s25 =	simm.s32 $0x2  }
0x47: {  	v6 =	vmov s25  }
0x48: {  	[tilespmem:v4+s20+$0x0] =	vst.idx.msk $0xffff, v5;
	v4 =	vand.u32 $0x7E, v6  }
0x49: {  	v5 =	vld [tilespmem:s23+$0x0];
	v6 =	vadd.s32 v0, v4;
	_ =	sdelay $0x4  }
0x4a: {  	[tilespmem:v6+s20+$0x0] =	vst.idx.msk $0xffff, v5  }
0x4b: {  	v6 =	vadd.s32 v1, v4;
	v5 =	vld [tilespmem:s23+$0x10];
	_ =	sdelay $0x4  }
0x4c: {  	[tilespmem:v6+s20+$0x0] =	vst.idx.msk $0xffff, v5  }
0x4d: {  	v6 =	vadd.s32 v2, v4;
	v5 =	vld [tilespmem:s23+$0x20];
	_ =	sdelay $0x4  }
0x4e: {  	[tilespmem:v6+s20+$0x0] =	vst.idx.msk $0xffff, v5  }
0x4f: {  	v4 =	vadd.s32 v3, v4;
	v5 =	vld [tilespmem:s23+$0x30];
	_ =	sdelay $0x2  }
0x50: {  	s26 =	simm.s32 $0x3  }
0x51: {  	v6 =	vmov s26  }
0x52: {  	[tilespmem:v4+s20+$0x0] =	vst.idx.msk $0xffff, v5;
	v5 =	vand.u32 $0x7F, v6  }
0x53: {  	v4 =	vld [tilespmem:s23+$0x80];
	v6 =	vadd.s32 v0, v5;
	_ =	sdelay $0x4  }
0x54: {  	[tilespmem:v6+s20+$0x0] =	vst.idx.msk $0xffff, v4  }
0x55: {  	v6 =	vadd.s32 v1, v5;
	v4 =	vld [tilespmem:s23+$0x90];
	_ =	sdelay $0x4  }
0x56: {  	[tilespmem:v6+s20+$0x0] =	vst.idx.msk $0xffff, v4  }
0x57: {  	v6 =	vadd.s32 v2, v5;
	v4 =	vld [tilespmem:s23+$0xA0];
	_ =	sdelay $0x4  }
0x58: {  	[tilespmem:v6+s20+$0x0] =	vst.idx.msk $0xffff, v4  }
0x59: {  	v5 =	vadd.s32 v3, v5;
	v4 =	vld [tilespmem:s23+$0xB0];
	_ =	sdelay $0x2  }
0x5a: {  	s24 =	simm.s32 $0x4  }
0x5b: {  	s25 =	simm.s32 $0x8;
	v6 =	vmov s24  }
.LBB2_3:
0x5c: {  	p0 =	slt.u32 s25, $0x7C;
	v6 =	vand.u32 $0x7C, v6;
	[tilespmem:v5+s20+$0x0] =	vst.idx.msk $0xffff, v4;
	s23 =	sadd.s32 $0x200, s23  }
0x5d: {  	v4 =	vld [tilespmem:s23+$0xFFFFFF00];
	v5 =	vadd.s32 v0, v6;
	_ =	sdelay $0x4  }
0x5e: {  	[tilespmem:v5+s20+$0x0] =	vst.idx.msk $0xffff, v4  }
0x5f: {  	v5 =	vadd.s32 v1, v6;
	v4 =	vld [tilespmem:s23+$0xFFFFFF10];
	_ =	sdelay $0x4  }
0x60: {  	[tilespmem:v5+s20+$0x0] =	vst.idx.msk $0xffff, v4  }
0x61: {  	v5 =	vadd.s32 v2, v6;
	v4 =	vld [tilespmem:s23+$0xFFFFFF20];
	_ =	sdelay $0x4  }
0x62: {  	[tilespmem:v5+s20+$0x0] =	vst.idx.msk $0xffff, v4  }
0x63: {  	v5 =	vadd.s32 v3, v6;
	v4 =	vld [tilespmem:s23+$0xFFFFFF30];
	_ =	sdelay $0x2  }
0x64: {  	s26 =	sadd.s32 $0x1, s24  }
0x65: {  	v6 =	vmov s26  }
0x66: {  	[tilespmem:v5+s20+$0x0] =	vst.idx.msk $0xffff, v4;
	v4 =	vand.u32 $0x7D, v6  }
0x67: {  	v5 =	vld [tilespmem:s23+$0xFFFFFF80];
	v6 =	vadd.s32 v0, v4;
	_ =	sdelay $0x4  }
0x68: {  	[tilespmem:v6+s20+$0x0] =	vst.idx.msk $0xffff, v5  }
0x69: {  	v6 =	vadd.s32 v1, v4;
	v5 =	vld [tilespmem:s23+$0xFFFFFF90];
	_ =	sdelay $0x4  }
0x6a: {  	[tilespmem:v6+s20+$0x0] =	vst.idx.msk $0xffff, v5  }
0x6b: {  	v6 =	vadd.s32 v2, v4;
	v5 =	vld [tilespmem:s23+$0xFFFFFFA0];
	_ =	sdelay $0x4  }
0x6c: {  	[tilespmem:v6+s20+$0x0] =	vst.idx.msk $0xffff, v5  }
0x6d: {  	v4 =	vadd.s32 v3, v4;
	v5 =	vld [tilespmem:s23+$0xFFFFFFB0];
	_ =	sdelay $0x2  }
0x6e: {  	s26 =	sadd.s32 $0x2, s24  }
0x6f: {  	v6 =	vmov s26  }
0x70: {  	[tilespmem:v4+s20+$0x0] =	vst.idx.msk $0xffff, v5;
	v4 =	vand.u32 $0x7E, v6  }
0x71: {  	v5 =	vld [tilespmem:s23+$0x0];
	v6 =	vadd.s32 v0, v4;
	_ =	sdelay $0x4  }
0x72: {  	[tilespmem:v6+s20+$0x0] =	vst.idx.msk $0xffff, v5  }
0x73: {  	v6 =	vadd.s32 v1, v4;
	v5 =	vld [tilespmem:s23+$0x10];
	_ =	sdelay $0x4  }
0x74: {  	[tilespmem:v6+s20+$0x0] =	vst.idx.msk $0xffff, v5  }
0x75: {  	v6 =	vadd.s32 v2, v4;
	v5 =	vld [tilespmem:s23+$0x20];
	_ =	sdelay $0x4  }
0x76: {  	[tilespmem:v6+s20+$0x0] =	vst.idx.msk $0xffff, v5  }
0x77: {  	v4 =	vadd.s32 v3, v4;
	v5 =	vld [tilespmem:s23+$0x30];
	_ =	sdelay $0x2  }
0x78: {  	s26 =	sadd.s32 $0x3, s24;
	s24 =	smov.u32 s25  }
0x79: {  	v6 =	vmov s26  }
0x7a: {  	[tilespmem:v4+s20+$0x0] =	vst.idx.msk $0xffff, v5;
	v5 =	vand.u32 $0x7F, v6  }
0x7b: {  	v4 =	vld [tilespmem:s23+$0x80];
	v6 =	vadd.s32 v0, v5;
	_ =	sdelay $0x4  }
0x7c: {  	[tilespmem:v6+s20+$0x0] =	vst.idx.msk $0xffff, v4  }
0x7d: {  	v6 =	vadd.s32 v1, v5;
	v4 =	vld [tilespmem:s23+$0x90];
	_ =	sdelay $0x4  }
0x7e: {  	[tilespmem:v6+s20+$0x0] =	vst.idx.msk $0xffff, v4  }
0x7f: {  	v6 =	vadd.s32 v2, v5;
	v4 =	vld [tilespmem:s23+$0xA0];
	_ =	sdelay $0x4  }
0x80: {  	[tilespmem:v6+s20+$0x0] =	vst.idx.msk $0xffff, v4  }
.Ltmp0:
0x81: {  	v5 =	vadd.s32 v3, v5;
	v4 =	vld [tilespmem:s23+$0xB0];
	(pc) =	sbr.rel @p0 .LBB2_3-.Ltmp0, $2  }
0x82: {  	_ =	sdelay $0x2  }
0x83: {  	s25 =	sadd.s32 $0x4, s25;
	v6 =	vmov s24  }
0x84: {  	_ =	sdelay $0x3  }
0x85: {  	v6 =	vand.u32 $0x7C, v6;
	[tilespmem:v5+s20+$0x0] =	vst.idx.msk $0xffff, v4;
	s23 =	sadd.s32 $0x200, s23  }
0x86: {  	v4 =	vld [tilespmem:s23+$0xFFFFFF00];
	v5 =	vadd.s32 v0, v6;
	_ =	sdelay $0x4  }
0x87: {  	[tilespmem:v5+s20+$0x0] =	vst.idx.msk $0xffff, v4  }
0x88: {  	v5 =	vadd.s32 v1, v6;
	v4 =	vld [tilespmem:s23+$0xFFFFFF10];
	_ =	sdelay $0x4  }
0x89: {  	[tilespmem:v5+s20+$0x0] =	vst.idx.msk $0xffff, v4  }
0x8a: {  	v5 =	vadd.s32 v2, v6;
	v4 =	vld [tilespmem:s23+$0xFFFFFF20];
	_ =	sdelay $0x4  }
0x8b: {  	[tilespmem:v5+s20+$0x0] =	vst.idx.msk $0xffff, v4  }
0x8c: {  	v5 =	vadd.s32 v3, v6;
	v4 =	vld [tilespmem:s23+$0xFFFFFF30];
	_ =	sdelay $0x2  }
0x8d: {  	s25 =	sadd.s32 $0x1, s24  }
0x8e: {  	v6 =	vmov s25  }
0x8f: {  	[tilespmem:v5+s20+$0x0] =	vst.idx.msk $0xffff, v4;
	v4 =	vand.u32 $0x7D, v6  }
0x90: {  	v5 =	vld [tilespmem:s23+$0xFFFFFF80];
	v6 =	vadd.s32 v0, v4;
	_ =	sdelay $0x4  }
0x91: {  	[tilespmem:v6+s20+$0x0] =	vst.idx.msk $0xffff, v5  }
0x92: {  	v6 =	vadd.s32 v1, v4;
	v5 =	vld [tilespmem:s23+$0xFFFFFF90];
	_ =	sdelay $0x4  }
0x93: {  	[tilespmem:v6+s20+$0x0] =	vst.idx.msk $0xffff, v5  }
0x94: {  	v6 =	vadd.s32 v2, v4;
	v5 =	vld [tilespmem:s23+$0xFFFFFFA0];
	_ =	sdelay $0x4  }
0x95: {  	[tilespmem:v6+s20+$0x0] =	vst.idx.msk $0xffff, v5  }
0x96: {  	v4 =	vadd.s32 v3, v4;
	v5 =	vld [tilespmem:s23+$0xFFFFFFB0];
	_ =	sdelay $0x2  }
0x97: {  	s26 =	sadd.s32 $0x2, s24  }
0x98: {  	v6 =	vmov s26  }
0x99: {  	[tilespmem:v4+s20+$0x0] =	vst.idx.msk $0xffff, v5;
	v4 =	vand.u32 $0x7E, v6  }
0x9a: {  	v5 =	vld [tilespmem:s23+$0x0];
	v6 =	vadd.s32 v0, v4;
	_ =	sdelay $0x4  }
0x9b: {  	[tilespmem:v6+s20+$0x0] =	vst.idx.msk $0xffff, v5  }
0x9c: {  	v6 =	vadd.s32 v1, v4;
	v5 =	vld [tilespmem:s23+$0x10];
	_ =	sdelay $0x4  }
0x9d: {  	[tilespmem:v6+s20+$0x0] =	vst.idx.msk $0xffff, v5  }
0x9e: {  	v6 =	vadd.s32 v2, v4;
	v5 =	vld [tilespmem:s23+$0x20];
	_ =	sdelay $0x4  }
0x9f: {  	[tilespmem:v6+s20+$0x0] =	vst.idx.msk $0xffff, v5  }
0xa0: {  	v4 =	vadd.s32 v3, v4;
	v5 =	vld [tilespmem:s23+$0x30];
	_ =	sdelay $0x2  }
0xa1: {  	s26 =	sadd.s32 $0x3, s24  }
0xa2: {  	v6 =	vmov s26  }
0xa3: {  	[tilespmem:v4+s20+$0x0] =	vst.idx.msk $0xffff, v5;
	v4 =	vand.u32 $0x7F, v6  }
0xa4: {  	v5 =	vld [tilespmem:s23+$0x80];
	v6 =	vadd.s32 v0, v4;
	_ =	sdelay $0x4  }
0xa5: {  	[tilespmem:v6+s20+$0x0] =	vst.idx.msk $0xffff, v5  }
0xa6: {  	v6 =	vadd.s32 v1, v4;
	v5 =	vld [tilespmem:s23+$0x90];
	_ =	sdelay $0x4  }
0xa7: {  	[tilespmem:v6+s20+$0x0] =	vst.idx.msk $0xffff, v5  }
0xa8: {  	v6 =	vadd.s32 v2, v4;
	v5 =	vld [tilespmem:s23+$0xA0];
	_ =	sdelay $0x4  }
0xa9: {  	[tilespmem:v6+s20+$0x0] =	vst.idx.msk $0xffff, v5  }
0xaa: {  	v4 =	vadd.s32 v3, v4;
	v5 =	vld [tilespmem:s23+$0xB0]  }
0xab: {  	s22 =	sadd.s32 s5, s22  }
0xac: {  	s24 =	sshll.u32 s22, $0xA;
	s22 =	sshll.u32 s22, $0x7  }
0xad: {  	s22 =	sand.u32 $0x3F00, s22;
	s23 =	sand.u32 $0x7FFE0000, s24  }
0xae: {  	s22 =	sor.u32 s22, s23  }
0xaf: {  	s23 =	sadd.s32 s2, s22;
	[tilespmem:v4+s20+$0x0] =	vst.idx.msk $0xffff, v5  }
0xb0: {  	[hbm4b:s23+s3] =	stream.linear.scatter [tilespmem:s20], [sflag:$0x3], $0x80, $0x38;
	[tilespmem:$0x12800] =	vst v63  }
0xb1: {  	s26 =	simm.s32 $0xE488;
	s25 =	sadd.s32 $0x10, s23  }
0xb2: {  	[hbm4b:s25+s3] =	stream.linear.scatter [tilespmem:s26], [sflag:$0x3], $0x80, $0x38;
	[tilespmem:$0x12800] =	vst v63  }
0xb3: {  	s25 =	sadd.s32 $0x20, s23;
	s26 =	simm.s32 $0xE510  }
0xb4: {  	[hbm4b:s25+s3] =	stream.linear.scatter [tilespmem:s26], [sflag:$0x3], $0x80, $0x38;
	[tilespmem:$0x12800] =	vst v63  }
0xb5: {  	s25 =	sadd.s32 $0x30, s23;
	s26 =	simm.s32 $0xE598  }
0xb6: {  	[hbm4b:s25+s3] =	stream.linear.scatter [tilespmem:s26], [sflag:$0x3], $0x80, $0x38;
	[tilespmem:$0x12800] =	vst v63  }
0xb7: {  	s25 =	sadd.s32 $0x40, s23;
	s26 =	simm.s32 $0xE620  }
0xb8: {  	[hbm4b:s25+s3] =	stream.linear.scatter [tilespmem:s26], [sflag:$0x3], $0x80, $0x38;
	[tilespmem:$0x12800] =	vst v63  }
0xb9: {  	s25 =	sadd.s32 $0x50, s23;
	s26 =	simm.s32 $0xE6A8  }
0xba: {  	[hbm4b:s25+s3] =	stream.linear.scatter [tilespmem:s26], [sflag:$0x3], $0x80, $0x38;
	[tilespmem:$0x12800] =	vst v63  }
0xbb: {  	s25 =	sadd.s32 $0x60, s23;
	s26 =	simm.s32 $0xE730  }
0xbc: {  	[hbm4b:s25+s3] =	stream.linear.scatter [tilespmem:s26], [sflag:$0x3], $0x80, $0x38;
	[tilespmem:$0x12800] =	vst v63  }
0xbd: {  	s23 =	sadd.s32 $0x70, s23;
	s25 =	simm.s32 $0xE7B8  }
0xbe: {  	[hbm4b:s23+s3] =	stream.linear.scatter [tilespmem:s25], [sflag:$0x3], $0x80, $0x38;
	[tilespmem:$0x12800] =	vst v63  }
0xbf: {  	s26 =	simm.s32 $0xE840;
	s23 =	sadd.s32 s22, s7  }
0xc0: {  	[hbm4b:s23+s3] =	stream.linear.scatter [tilespmem:s26], [sflag:$0x3], $0x80, $0x38;
	[tilespmem:$0x12800] =	vst v63  }
0xc1: {  	s25 =	sadd.s32 $0x10, s23;
	s26 =	simm.s32 $0xE8C8  }
0xc2: {  	[hbm4b:s25+s3] =	stream.linear.scatter [tilespmem:s26], [sflag:$0x3], $0x80, $0x38;
	[tilespmem:$0x12800] =	vst v63  }
0xc3: {  	s25 =	sadd.s32 $0x20, s23;
	s26 =	simm.s32 $0xE950  }
0xc4: {  	[hbm4b:s25+s3] =	stream.linear.scatter [tilespmem:s26], [sflag:$0x3], $0x80, $0x38;
	[tilespmem:$0x12800] =	vst v63  }
0xc5: {  	s25 =	sadd.s32 $0x30, s23;
	s26 =	simm.s32 $0xE9D8  }
0xc6: {  	[hbm4b:s25+s3] =	stream.linear.scatter [tilespmem:s26], [sflag:$0x3], $0x80, $0x38;
	[tilespmem:$0x12800] =	vst v63  }
0xc7: {  	s25 =	sadd.s32 $0x40, s23;
	s26 =	simm.s32 $0xEA60  }
0xc8: {  	[hbm4b:s25+s3] =	stream.linear.scatter [tilespmem:s26], [sflag:$0x3], $0x80, $0x38;
	[tilespmem:$0x12800] =	vst v63  }
0xc9: {  	s25 =	sadd.s32 $0x50, s23;
	s26 =	simm.s32 $0xEAE8  }
0xca: {  	[hbm4b:s25+s3] =	stream.linear.scatter [tilespmem:s26], [sflag:$0x3], $0x80, $0x38;
	[tilespmem:$0x12800] =	vst v63  }
0xcb: {  	s25 =	sadd.s32 $0x60, s23;
	s26 =	simm.s32 $0xEB70  }
0xcc: {  	[hbm4b:s25+s3] =	stream.linear.scatter [tilespmem:s26], [sflag:$0x3], $0x80, $0x38;
	[tilespmem:$0x12800] =	vst v63  }
0xcd: {  	s23 =	sadd.s32 $0x70, s23;
	s25 =	simm.s32 $0xEBF8  }
0xce: {  	[hbm4b:s23+s3] =	stream.linear.scatter [tilespmem:s25], [sflag:$0x3], $0x80, $0x38;
	[tilespmem:$0x12800] =	vst v63  }
0xcf: {  	s26 =	simm.s32 $0xEC80;
	s23 =	sadd.s32 s22, s8  }
0xd0: {  	[hbm4b:s23+s3] =	stream.linear.scatter [tilespmem:s26], [sflag:$0x3], $0x80, $0x38;
	[tilespmem:$0x12800] =	vst v63  }
0xd1: {  	s25 =	sadd.s32 $0x10, s23;
	s26 =	simm.s32 $0xED08  }
0xd2: {  	[hbm4b:s25+s3] =	stream.linear.scatter [tilespmem:s26], [sflag:$0x3], $0x80, $0x38;
	[tilespmem:$0x12800] =	vst v63  }
0xd3: {  	s25 =	sadd.s32 $0x20, s23;
	s26 =	simm.s32 $0xED90  }
0xd4: {  	[hbm4b:s25+s3] =	stream.linear.scatter [tilespmem:s26], [sflag:$0x3], $0x80, $0x38;
	[tilespmem:$0x12800] =	vst v63  }
0xd5: {  	s25 =	sadd.s32 $0x30, s23;
	s26 =	simm.s32 $0xEE18  }
0xd6: {  	[hbm4b:s25+s3] =	stream.linear.scatter [tilespmem:s26], [sflag:$0x3], $0x80, $0x38;
	[tilespmem:$0x12800] =	vst v63  }
0xd7: {  	s25 =	sadd.s32 $0x40, s23;
	s26 =	simm.s32 $0xEEA0  }
0xd8: {  	[hbm4b:s25+s3] =	stream.linear.scatter [tilespmem:s26], [sflag:$0x3], $0x80, $0x38;
	[tilespmem:$0x12800] =	vst v63  }
0xd9: {  	s25 =	sadd.s32 $0x50, s23;
	s26 =	simm.s32 $0xEF28  }
0xda: {  	[hbm4b:s25+s3] =	stream.linear.scatter [tilespmem:s26], [sflag:$0x3], $0x80, $0x38;
	[tilespmem:$0x12800] =	vst v63  }
0xdb: {  	s25 =	sadd.s32 $0x60, s23;
	s26 =	simm.s32 $0xEFB0  }
0xdc: {  	[hbm4b:s25+s3] =	stream.linear.scatter [tilespmem:s26], [sflag:$0x3], $0x80, $0x38;
	[tilespmem:$0x12800] =	vst v63  }
0xdd: {  	s23 =	sadd.s32 $0x70, s23;
	s25 =	simm.s32 $0xF038  }
0xde: {  	[hbm4b:s23+s3] =	stream.linear.scatter [tilespmem:s25], [sflag:$0x3], $0x80, $0x38;
	[tilespmem:$0x12800] =	vst v63  }
0xdf: {  	s26 =	simm.s32 $0xF0C0;
	s23 =	sadd.s32 s22, s9  }
0xe0: {  	[hbm4b:s23+s3] =	stream.linear.scatter [tilespmem:s26], [sflag:$0x3], $0x80, $0x38;
	[tilespmem:$0x12800] =	vst v63  }
0xe1: {  	s25 =	sadd.s32 $0x10, s23;
	s26 =	simm.s32 $0xF148  }
0xe2: {  	[hbm4b:s25+s3] =	stream.linear.scatter [tilespmem:s26], [sflag:$0x3], $0x80, $0x38;
	[tilespmem:$0x12800] =	vst v63  }
0xe3: {  	s25 =	sadd.s32 $0x20, s23;
	s26 =	simm.s32 $0xF1D0  }
0xe4: {  	[hbm4b:s25+s3] =	stream.linear.scatter [tilespmem:s26], [sflag:$0x3], $0x80, $0x38;
	[tilespmem:$0x12800] =	vst v63  }
0xe5: {  	s25 =	sadd.s32 $0x30, s23;
	s26 =	simm.s32 $0xF258  }
0xe6: {  	[hbm4b:s25+s3] =	stream.linear.scatter [tilespmem:s26], [sflag:$0x3], $0x80, $0x38;
	[tilespmem:$0x12800] =	vst v63  }
0xe7: {  	s25 =	sadd.s32 $0x40, s23;
	s26 =	simm.s32 $0xF2E0  }
0xe8: {  	[hbm4b:s25+s3] =	stream.linear.scatter [tilespmem:s26], [sflag:$0x3], $0x80, $0x38;
	[tilespmem:$0x12800] =	vst v63  }
0xe9: {  	s25 =	sadd.s32 $0x50, s23;
	s26 =	simm.s32 $0xF368  }
0xea: {  	[hbm4b:s25+s3] =	stream.linear.scatter [tilespmem:s26], [sflag:$0x3], $0x80, $0x38;
	[tilespmem:$0x12800] =	vst v63  }
0xeb: {  	s25 =	sadd.s32 $0x60, s23;
	s26 =	simm.s32 $0xF3F0  }
0xec: {  	[hbm4b:s25+s3] =	stream.linear.scatter [tilespmem:s26], [sflag:$0x3], $0x80, $0x38;
	[tilespmem:$0x12800] =	vst v63  }
0xed: {  	s23 =	sadd.s32 $0x70, s23;
	s25 =	simm.s32 $0xF478  }
0xee: {  	[hbm4b:s23+s3] =	stream.linear.scatter [tilespmem:s25], [sflag:$0x3], $0x80, $0x38;
	[tilespmem:$0x12800] =	vst v63  }
0xef: {  	s26 =	simm.s32 $0xF500;
	s23 =	sadd.s32 s22, s10  }
0xf0: {  	[hbm4b:s23+s3] =	stream.linear.scatter [tilespmem:s26], [sflag:$0x3], $0x80, $0x38;
	[tilespmem:$0x12800] =	vst v63  }
0xf1: {  	s25 =	sadd.s32 $0x10, s23;
	s26 =	simm.s32 $0xF588  }
0xf2: {  	[hbm4b:s25+s3] =	stream.linear.scatter [tilespmem:s26], [sflag:$0x3], $0x80, $0x38;
	[tilespmem:$0x12800] =	vst v63  }
0xf3: {  	s25 =	sadd.s32 $0x20, s23;
	s26 =	simm.s32 $0xF610  }
0xf4: {  	[hbm4b:s25+s3] =	stream.linear.scatter [tilespmem:s26], [sflag:$0x3], $0x80, $0x38;
	[tilespmem:$0x12800] =	vst v63  }
0xf5: {  	s25 =	sadd.s32 $0x30, s23;
	s26 =	simm.s32 $0xF698  }
0xf6: {  	[hbm4b:s25+s3] =	stream.linear.scatter [tilespmem:s26], [sflag:$0x3], $0x80, $0x38;
	[tilespmem:$0x12800] =	vst v63  }
0xf7: {  	s25 =	sadd.s32 $0x40, s23;
	s26 =	simm.s32 $0xF720  }
0xf8: {  	[hbm4b:s25+s3] =	stream.linear.scatter [tilespmem:s26], [sflag:$0x3], $0x80, $0x38;
	[tilespmem:$0x12800] =	vst v63  }
0xf9: {  	s25 =	sadd.s32 $0x50, s23;
	s26 =	simm.s32 $0xF7A8  }
0xfa: {  	[hbm4b:s25+s3] =	stream.linear.scatter [tilespmem:s26], [sflag:$0x3], $0x80, $0x38;
	[tilespmem:$0x12800] =	vst v63  }
0xfb: {  	s25 =	sadd.s32 $0x60, s23;
	s26 =	simm.s32 $0xF830  }
0xfc: {  	[hbm4b:s25+s3] =	stream.linear.scatter [tilespmem:s26], [sflag:$0x3], $0x80, $0x38;
	[tilespmem:$0x12800] =	vst v63  }
0xfd: {  	s23 =	sadd.s32 $0x70, s23;
	s25 =	simm.s32 $0xF8B8  }
0xfe: {  	[hbm4b:s23+s3] =	stream.linear.scatter [tilespmem:s25], [sflag:$0x3], $0x80, $0x38;
	[tilespmem:$0x12800] =	vst v63  }
0xff: {  	s26 =	simm.s32 $0xF940;
	s23 =	sadd.s32 s22, s11  }
0x100: {  	[hbm4b:s23+s3] =	stream.linear.scatter [tilespmem:s26], [sflag:$0x3], $0x80, $0x38;
	[tilespmem:$0x12800] =	vst v63  }
0x101: {  	s25 =	sadd.s32 $0x10, s23;
	s26 =	simm.s32 $0xF9C8  }
0x102: {  	[hbm4b:s25+s3] =	stream.linear.scatter [tilespmem:s26], [sflag:$0x3], $0x80, $0x38;
	[tilespmem:$0x12800] =	vst v63  }
0x103: {  	s25 =	sadd.s32 $0x20, s23;
	s26 =	simm.s32 $0xFA50  }
0x104: {  	[hbm4b:s25+s3] =	stream.linear.scatter [tilespmem:s26], [sflag:$0x3], $0x80, $0x38;
	[tilespmem:$0x12800] =	vst v63  }
0x105: {  	s25 =	sadd.s32 $0x30, s23;
	s26 =	simm.s32 $0xFAD8  }
0x106: {  	[hbm4b:s25+s3] =	stream.linear.scatter [tilespmem:s26], [sflag:$0x3], $0x80, $0x38;
	[tilespmem:$0x12800] =	vst v63  }
0x107: {  	s25 =	sadd.s32 $0x40, s23;
	s26 =	simm.s32 $0xFB60  }
0x108: {  	[hbm4b:s25+s3] =	stream.linear.scatter [tilespmem:s26], [sflag:$0x3], $0x80, $0x38;
	[tilespmem:$0x12800] =	vst v63  }
0x109: {  	s25 =	sadd.s32 $0x50, s23;
	s26 =	simm.s32 $0xFBE8  }
0x10a: {  	[hbm4b:s25+s3] =	stream.linear.scatter [tilespmem:s26], [sflag:$0x3], $0x80, $0x38;
	[tilespmem:$0x12800] =	vst v63  }
0x10b: {  	s25 =	sadd.s32 $0x60, s23;
	s26 =	simm.s32 $0xFC70  }
0x10c: {  	[hbm4b:s25+s3] =	stream.linear.scatter [tilespmem:s26], [sflag:$0x3], $0x80, $0x38;
	[tilespmem:$0x12800] =	vst v63  }
0x10d: {  	s23 =	sadd.s32 $0x70, s23;
	s25 =	simm.s32 $0xFCF8  }
0x10e: {  	[hbm4b:s23+s3] =	stream.linear.scatter [tilespmem:s25], [sflag:$0x3], $0x80, $0x38;
	[tilespmem:$0x12800] =	vst v63  }
0x10f: {  	s26 =	simm.s32 $0xFD80;
	s23 =	sadd.s32 s22, s12  }
0x110: {  	[hbm4b:s23+s3] =	stream.linear.scatter [tilespmem:s26], [sflag:$0x3], $0x80, $0x38;
	[tilespmem:$0x12800] =	vst v63  }
0x111: {  	s25 =	sadd.s32 $0x10, s23;
	s26 =	simm.s32 $0xFE08  }
0x112: {  	[hbm4b:s25+s3] =	stream.linear.scatter [tilespmem:s26], [sflag:$0x3], $0x80, $0x38;
	[tilespmem:$0x12800] =	vst v63  }
0x113: {  	s25 =	sadd.s32 $0x20, s23;
	s26 =	simm.s32 $0xFE90  }
0x114: {  	[hbm4b:s25+s3] =	stream.linear.scatter [tilespmem:s26], [sflag:$0x3], $0x80, $0x38;
	[tilespmem:$0x12800] =	vst v63  }
0x115: {  	s25 =	sadd.s32 $0x30, s23;
	s26 =	simm.s32 $0xFF18  }
0x116: {  	[hbm4b:s25+s3] =	stream.linear.scatter [tilespmem:s26], [sflag:$0x3], $0x80, $0x38;
	[tilespmem:$0x12800] =	vst v63  }
0x117: {  	s25 =	sadd.s32 $0x40, s23;
	s26 =	simm.s32 $0xFFA0  }
0x118: {  	[hbm4b:s25+s3] =	stream.linear.scatter [tilespmem:s26], [sflag:$0x3], $0x80, $0x38;
	[tilespmem:$0x12800] =	vst v63  }
0x119: {  	s25 =	sadd.s32 $0x50, s23;
	s26 =	simm.s32 $0x10028  }
0x11a: {  	[hbm4b:s25+s3] =	stream.linear.scatter [tilespmem:s26], [sflag:$0x3], $0x80, $0x38;
	[tilespmem:$0x12800] =	vst v63  }
0x11b: {  	s25 =	sadd.s32 $0x60, s23;
	s26 =	simm.s32 $0x100B0  }
0x11c: {  	[hbm4b:s25+s3] =	stream.linear.scatter [tilespmem:s26], [sflag:$0x3], $0x80, $0x38;
	[tilespmem:$0x12800] =	vst v63  }
0x11d: {  	s23 =	sadd.s32 $0x70, s23;
	s26 =	simm.s32 $0x10138  }
0x11e: {  	[hbm4b:s23+s3] =	stream.linear.scatter [tilespmem:s26], [sflag:$0x3], $0x80, $0x38;
	[tilespmem:$0x12800] =	vst v63  }
0x11f: {  	s24 =	simm.s32 $0x101C0;
	s22 =	sadd.s32 s22, s13  }
0x120: {  	[hbm4b:s22+s3] =	stream.linear.scatter [tilespmem:s24], [sflag:$0x3], $0x80, $0x38;
	[tilespmem:$0x12800] =	vst v63  }
0x121: {  	s25 =	sadd.s32 $0x10, s22;
	s26 =	simm.s32 $0x10248  }
0x122: {  	[hbm4b:s25+s3] =	stream.linear.scatter [tilespmem:s26], [sflag:$0x3], $0x80, $0x38;
	[tilespmem:$0x12800] =	vst v63  }
0x123: {  	s25 =	sadd.s32 $0x20, s22;
	s26 =	simm.s32 $0x102D0  }
0x124: {  	[hbm4b:s25+s3] =	stream.linear.scatter [tilespmem:s26], [sflag:$0x3], $0x80, $0x38;
	[tilespmem:$0x12800] =	vst v63  }
0x125: {  	s25 =	sadd.s32 $0x30, s22;
	s26 =	simm.s32 $0x10358  }
0x126: {  	[hbm4b:s25+s3] =	stream.linear.scatter [tilespmem:s26], [sflag:$0x3], $0x80, $0x38;
	[tilespmem:$0x12800] =	vst v63  }
0x127: {  	s25 =	sadd.s32 $0x40, s22;
	s26 =	simm.s32 $0x103E0  }
0x128: {  	[hbm4b:s25+s3] =	stream.linear.scatter [tilespmem:s26], [sflag:$0x3], $0x80, $0x38;
	[tilespmem:$0x12800] =	vst v63  }
0x129: {  	s25 =	sadd.s32 $0x50, s22;
	s26 =	simm.s32 $0x10468  }
0x12a: {  	[hbm4b:s25+s3] =	stream.linear.scatter [tilespmem:s26], [sflag:$0x3], $0x80, $0x38;
	[tilespmem:$0x12800] =	vst v63  }
0x12b: {  	s25 =	sadd.s32 $0x60, s22;
	s26 =	simm.s32 $0x104F0  }
0x12c: {  	[hbm4b:s25+s3] =	stream.linear.scatter [tilespmem:s26], [sflag:$0x3], $0x80, $0x38;
	[tilespmem:$0x12800] =	vst v63  }
0x12d: {  	s22 =	sadd.s32 $0x70, s22;
	s25 =	simm.s32 $0x10578  }
0x12e: {  	[hbm4b:s22+s3] =	stream.linear.scatter [tilespmem:s25], [sflag:$0x3], $0x80, $0x38;
	[tilespmem:$0x12800] =	vst v63  }
0x12f: {  	_ =	swait.ge [sflag:s0], $0x4000  }
0x130: {  	[sflag:s0] =	ssyncset.done $0x0  }
0x131: {  	[sflag:s0] =	ssyncadd.s32 $0xFFFFC000  }
0x132: {  	_ =	swait.ge [sflag:s16], $0x400  }
0x133: {  	[sflag:s16] =	ssyncset.done $0x0  }
0x134: {  	[sflag:s16] =	ssyncadd.s32 $0xFFFFFC00  }
0x135: {  	_ =	swait.ge [sflag:s16], $0x400  }
0x136: {  	[sflag:s16] =	ssyncset.done $0x0  }
0x137: {  	[sflag:s16] =	ssyncadd.s32 $0xFFFFFC00  }
0x138: {  	_ =	swait.ge [sflag:s16], $0x400  }
0x139: {  	[sflag:s16] =	ssyncset.done $0x0  }
0x13a: {  	[sflag:s16] =	ssyncadd.s32 $0xFFFFFC00  }
0x13b: {  	_ =	swait.ge [sflag:s16], $0x400  }
0x13c: {  	[sflag:s16] =	ssyncset.done $0x0  }
0x13d: {  	[sflag:s16] =	ssyncadd.s32 $0xFFFFFC00  }
0x13e: {  	_ =	swait.ge [sflag:s16], $0x400  }
0x13f: {  	[sflag:s16] =	ssyncset.done $0x0  }
0x140: {  	[sflag:s16] =	ssyncadd.s32 $0xFFFFFC00  }
0x141: {  	_ =	swait.ge [sflag:s16], $0x400  }
0x142: {  	[sflag:s16] =	ssyncset.done $0x0  }
0x143: {  	[sflag:s16] =	ssyncadd.s32 $0xFFFFFC00  }
0x144: {  	_ =	swait.ge [sflag:s16], $0x400  }
0x145: {  	[sflag:s16] =	ssyncset.done $0x0  }
0x146: {  	p0 =	seq.s32 s18, $0x63;
	[sflag:s16] =	ssyncadd.s32 $0xFFFFFC00  }
0x147: {  	s23 =	simm.s32 @!p0 $0x80;
	s22 =	sshll.u32 @!p0 s18, $0x8;
	_ =	swait.ge [sflag:s16], $0x400  }
0x148: {  	s24 =	simm.s32 @!p0 $0x6400;
	s22 =	sand.u32 @!p0 $0x3FFFFF00, s22;
	[sflag:s16] =	ssyncset.done $0x0  }
0x149: {  	s26 =	simm.s32 $0x0;
	s22 =	sadd.s32 @!p0 $0x100, s22;
	[sflag:s16] =	ssyncadd.s32 $0xFFFFFC00  }
0x14a: {  	v4 =	vmov s26;
	[tilespmem:s24], [sflag:$0x1] =	stream.indirect.gather @!p0 [hbm4b:s4+s23], $0x80, s22, s23, $0xb8;
	[tilespmem:$0x12800] =	vst v63  }
0x14b: {  	v4 =	vand.u32 $0x7C, v4;
	s22 =	simm.s32 $0xA500  }
0x14c: {  	v6 =	vadd.s32 v0, v4;
	v5 =	vld [tilespmem:s22+$0xFFFFFF00];
	_ =	sdelay $0x4  }
0x14d: {  	[tilespmem:v6+s17+$0x0] =	vst.idx.msk $0xffff, v5  }
0x14e: {  	v6 =	vadd.s32 v1, v4;
	v5 =	vld [tilespmem:s22+$0xFFFFFF10];
	_ =	sdelay $0x4  }
0x14f: {  	[tilespmem:v6+s17+$0x0] =	vst.idx.msk $0xffff, v5  }
0x150: {  	v6 =	vadd.s32 v2, v4;
	v5 =	vld [tilespmem:s22+$0xFFFFFF20];
	_ =	sdelay $0x4  }
0x151: {  	[tilespmem:v6+s17+$0x0] =	vst.idx.msk $0xffff, v5  }
0x152: {  	v4 =	vadd.s32 v3, v4;
	v5 =	vld [tilespmem:s22+$0xFFFFFF30];
	_ =	sdelay $0x2  }
0x153: {  	s24 =	simm.s32 $0x1  }
0x154: {  	v6 =	vmov s24  }
0x155: {  	[tilespmem:v4+s17+$0x0] =	vst.idx.msk $0xffff, v5;
	v4 =	vand.u32 $0x7D, v6  }
0x156: {  	v5 =	vld [tilespmem:s22+$0xFFFFFF80];
	v6 =	vadd.s32 v0, v4;
	_ =	sdelay $0x4  }
0x157: {  	[tilespmem:v6+s17+$0x0] =	vst.idx.msk $0xffff, v5  }
0x158: {  	v6 =	vadd.s32 v1, v4;
	v5 =	vld [tilespmem:s22+$0xFFFFFF90];
	_ =	sdelay $0x4  }
0x159: {  	[tilespmem:v6+s17+$0x0] =	vst.idx.msk $0xffff, v5  }
0x15a: {  	v6 =	vadd.s32 v2, v4;
	v5 =	vld [tilespmem:s22+$0xFFFFFFA0];
	_ =	sdelay $0x4  }
0x15b: {  	[tilespmem:v6+s17+$0x0] =	vst.idx.msk $0xffff, v5  }
0x15c: {  	v4 =	vadd.s32 v3, v4;
	v5 =	vld [tilespmem:s22+$0xFFFFFFB0];
	_ =	sdelay $0x2  }
0x15d: {  	s25 =	simm.s32 $0x2  }
0x15e: {  	v6 =	vmov s25  }
0x15f: {  	[tilespmem:v4+s17+$0x0] =	vst.idx.msk $0xffff, v5;
	v4 =	vand.u32 $0x7E, v6  }
0x160: {  	v5 =	vld [tilespmem:s22+$0x0];
	v6 =	vadd.s32 v0, v4;
	_ =	sdelay $0x4  }
0x161: {  	[tilespmem:v6+s17+$0x0] =	vst.idx.msk $0xffff, v5  }
0x162: {  	v6 =	vadd.s32 v1, v4;
	v5 =	vld [tilespmem:s22+$0x10];
	_ =	sdelay $0x4  }
0x163: {  	[tilespmem:v6+s17+$0x0] =	vst.idx.msk $0xffff, v5  }
0x164: {  	v6 =	vadd.s32 v2, v4;
	v5 =	vld [tilespmem:s22+$0x20];
	_ =	sdelay $0x4  }
0x165: {  	[tilespmem:v6+s17+$0x0] =	vst.idx.msk $0xffff, v5  }
0x166: {  	v4 =	vadd.s32 v3, v4;
	v5 =	vld [tilespmem:s22+$0x30];
	_ =	sdelay $0x2  }
0x167: {  	s26 =	simm.s32 $0x3  }
0x168: {  	v6 =	vmov s26  }
0x169: {  	[tilespmem:v4+s17+$0x0] =	vst.idx.msk $0xffff, v5;
	v5 =	vand.u32 $0x7F, v6  }
0x16a: {  	v4 =	vld [tilespmem:s22+$0x80];
	v6 =	vadd.s32 v0, v5;
	_ =	sdelay $0x4  }
0x16b: {  	[tilespmem:v6+s17+$0x0] =	vst.idx.msk $0xffff, v4  }
0x16c: {  	v6 =	vadd.s32 v1, v5;
	v4 =	vld [tilespmem:s22+$0x90];
	_ =	sdelay $0x4  }
0x16d: {  	[tilespmem:v6+s17+$0x0] =	vst.idx.msk $0xffff, v4  }
0x16e: {  	v6 =	vadd.s32 v2, v5;
	v4 =	vld [tilespmem:s22+$0xA0];
	_ =	sdelay $0x4  }
0x16f: {  	[tilespmem:v6+s17+$0x0] =	vst.idx.msk $0xffff, v4  }
0x170: {  	v5 =	vadd.s32 v3, v5;
	v4 =	vld [tilespmem:s22+$0xB0];
	_ =	sdelay $0x2  }
0x171: {  	s23 =	simm.s32 $0x4  }
0x172: {  	s24 =	simm.s32 $0x8;
	v6 =	vmov s23  }
.LBB2_5:
0x173: {  	p0 =	slt.u32 s24, $0x7C;
	v6 =	vand.u32 $0x7C, v6;
	[tilespmem:v5+s17+$0x0] =	vst.idx.msk $0xffff, v4;
	s22 =	sadd.s32 $0x200, s22  }
0x174: {  	v4 =	vld [tilespmem:s22+$0xFFFFFF00];
	v5 =	vadd.s32 v0, v6;
	_ =	sdelay $0x4  }
0x175: {  	[tilespmem:v5+s17+$0x0] =	vst.idx.msk $0xffff, v4  }
0x176: {  	v5 =	vadd.s32 v1, v6;
	v4 =	vld [tilespmem:s22+$0xFFFFFF10];
	_ =	sdelay $0x4  }
0x177: {  	[tilespmem:v5+s17+$0x0] =	vst.idx.msk $0xffff, v4  }
0x178: {  	v5 =	vadd.s32 v2, v6;
	v4 =	vld [tilespmem:s22+$0xFFFFFF20];
	_ =	sdelay $0x4  }
0x179: {  	[tilespmem:v5+s17+$0x0] =	vst.idx.msk $0xffff, v4  }
0x17a: {  	v5 =	vadd.s32 v3, v6;
	v4 =	vld [tilespmem:s22+$0xFFFFFF30];
	_ =	sdelay $0x2  }
0x17b: {  	s25 =	sadd.s32 $0x1, s23  }
0x17c: {  	v6 =	vmov s25  }
0x17d: {  	[tilespmem:v5+s17+$0x0] =	vst.idx.msk $0xffff, v4;
	v4 =	vand.u32 $0x7D, v6  }
0x17e: {  	v5 =	vld [tilespmem:s22+$0xFFFFFF80];
	v6 =	vadd.s32 v0, v4;
	_ =	sdelay $0x4  }
0x17f: {  	[tilespmem:v6+s17+$0x0] =	vst.idx.msk $0xffff, v5  }
0x180: {  	v6 =	vadd.s32 v1, v4;
	v5 =	vld [tilespmem:s22+$0xFFFFFF90];
	_ =	sdelay $0x4  }
0x181: {  	[tilespmem:v6+s17+$0x0] =	vst.idx.msk $0xffff, v5  }
0x182: {  	v6 =	vadd.s32 v2, v4;
	v5 =	vld [tilespmem:s22+$0xFFFFFFA0];
	_ =	sdelay $0x4  }
0x183: {  	[tilespmem:v6+s17+$0x0] =	vst.idx.msk $0xffff, v5  }
0x184: {  	v4 =	vadd.s32 v3, v4;
	v5 =	vld [tilespmem:s22+$0xFFFFFFB0];
	_ =	sdelay $0x2  }
0x185: {  	s25 =	sadd.s32 $0x2, s23  }
0x186: {  	v6 =	vmov s25  }
0x187: {  	[tilespmem:v4+s17+$0x0] =	vst.idx.msk $0xffff, v5;
	v4 =	vand.u32 $0x7E, v6  }
0x188: {  	v5 =	vld [tilespmem:s22+$0x0];
	v6 =	vadd.s32 v0, v4;
	_ =	sdelay $0x4  }
0x189: {  	[tilespmem:v6+s17+$0x0] =	vst.idx.msk $0xffff, v5  }
0x18a: {  	v6 =	vadd.s32 v1, v4;
	v5 =	vld [tilespmem:s22+$0x10];
	_ =	sdelay $0x4  }
0x18b: {  	[tilespmem:v6+s17+$0x0] =	vst.idx.msk $0xffff, v5  }
0x18c: {  	v6 =	vadd.s32 v2, v4;
	v5 =	vld [tilespmem:s22+$0x20];
	_ =	sdelay $0x4  }
0x18d: {  	[tilespmem:v6+s17+$0x0] =	vst.idx.msk $0xffff, v5  }
0x18e: {  	v4 =	vadd.s32 v3, v4;
	v5 =	vld [tilespmem:s22+$0x30];
	_ =	sdelay $0x2  }
0x18f: {  	s25 =	sadd.s32 $0x3, s23;
	s23 =	smov.u32 s24  }
0x190: {  	v6 =	vmov s25  }
0x191: {  	[tilespmem:v4+s17+$0x0] =	vst.idx.msk $0xffff, v5;
	v5 =	vand.u32 $0x7F, v6  }
0x192: {  	v4 =	vld [tilespmem:s22+$0x80];
	v6 =	vadd.s32 v0, v5;
	_ =	sdelay $0x4  }
0x193: {  	[tilespmem:v6+s17+$0x0] =	vst.idx.msk $0xffff, v4  }
0x194: {  	v6 =	vadd.s32 v1, v5;
	v4 =	vld [tilespmem:s22+$0x90];
	_ =	sdelay $0x4  }
0x195: {  	[tilespmem:v6+s17+$0x0] =	vst.idx.msk $0xffff, v4  }
0x196: {  	v6 =	vadd.s32 v2, v5;
	v4 =	vld [tilespmem:s22+$0xA0];
	_ =	sdelay $0x4  }
0x197: {  	[tilespmem:v6+s17+$0x0] =	vst.idx.msk $0xffff, v4  }
.Ltmp1:
0x198: {  	v5 =	vadd.s32 v3, v5;
	v4 =	vld [tilespmem:s22+$0xB0];
	(pc) =	sbr.rel @p0 .LBB2_5-.Ltmp1, $2  }
0x199: {  	_ =	sdelay $0x2  }
0x19a: {  	s24 =	sadd.s32 $0x4, s24;
	v6 =	vmov s23  }
0x19b: {  	_ =	sdelay $0x3  }
0x19c: {  	v6 =	vand.u32 $0x7C, v6;
	[tilespmem:v5+s17+$0x0] =	vst.idx.msk $0xffff, v4;
	s22 =	sadd.s32 $0x200, s22  }
0x19d: {  	v4 =	vld [tilespmem:s22+$0xFFFFFF00];
	v5 =	vadd.s32 v0, v6;
	_ =	sdelay $0x4  }
0x19e: {  	[tilespmem:v5+s17+$0x0] =	vst.idx.msk $0xffff, v4  }
0x19f: {  	v5 =	vadd.s32 v1, v6;
	v4 =	vld [tilespmem:s22+$0xFFFFFF10];
	_ =	sdelay $0x4  }
0x1a0: {  	[tilespmem:v5+s17+$0x0] =	vst.idx.msk $0xffff, v4  }
0x1a1: {  	v5 =	vadd.s32 v2, v6;
	v4 =	vld [tilespmem:s22+$0xFFFFFF20];
	_ =	sdelay $0x4  }
0x1a2: {  	[tilespmem:v5+s17+$0x0] =	vst.idx.msk $0xffff, v4  }
0x1a3: {  	v5 =	vadd.s32 v3, v6;
	v4 =	vld [tilespmem:s22+$0xFFFFFF30];
	_ =	sdelay $0x2  }
0x1a4: {  	s24 =	sadd.s32 $0x1, s23  }
0x1a5: {  	v55 =	vmov s24  }
0x1a6: {  	[tilespmem:v5+s17+$0x0] =	vst.idx.msk $0xffff, v4;
	v4 =	vand.u32 $0x7D, v55  }
0x1a7: {  	v5 =	vld [tilespmem:s22+$0xFFFFFF80];
	v6 =	vadd.s32 v0, v4;
	_ =	sdelay $0x4  }
0x1a8: {  	[tilespmem:v6+s17+$0x0] =	vst.idx.msk $0xffff, v5  }
0x1a9: {  	v56 =	vadd.s32 v1, v4;
	v5 =	vld [tilespmem:s22+$0xFFFFFF90];
	_ =	sdelay $0x4  }
0x1aa: {  	[tilespmem:v56+s17+$0x0] =	vst.idx.msk $0xffff, v5  }
0x1ab: {  	v57 =	vadd.s32 v2, v4;
	v5 =	vld [tilespmem:s22+$0xFFFFFFA0];
	_ =	sdelay $0x4  }
0x1ac: {  	[tilespmem:v57+s17+$0x0] =	vst.idx.msk $0xffff, v5  }
0x1ad: {  	v4 =	vadd.s32 v3, v4;
	v5 =	vld [tilespmem:s22+$0xFFFFFFB0];
	_ =	sdelay $0x2  }
0x1ae: {  	s25 =	sadd.s32 $0x2, s23  }
0x1af: {  	v58 =	vmov s25  }
0x1b0: {  	[tilespmem:v4+s17+$0x0] =	vst.idx.msk $0xffff, v5;
	v4 =	vand.u32 $0x7E, v58  }
0x1b1: {  	v5 =	vld [tilespmem:s22+$0x0];
	v6 =	vadd.s32 v0, v4;
	_ =	sdelay $0x4  }
0x1b2: {  	[tilespmem:v6+s17+$0x0] =	vst.idx.msk $0xffff, v5  }
0x1b3: {  	v59 =	vadd.s32 v1, v4;
	v5 =	vld [tilespmem:s22+$0x10];
	_ =	sdelay $0x4  }
0x1b4: {  	[tilespmem:v59+s17+$0x0] =	vst.idx.msk $0xffff, v5  }
0x1b5: {  	v60 =	vadd.s32 v2, v4;
	v5 =	vld [tilespmem:s22+$0x20];
	_ =	sdelay $0x4  }
0x1b6: {  	[tilespmem:v60+s17+$0x0] =	vst.idx.msk $0xffff, v5  }
0x1b7: {  	v4 =	vadd.s32 v3, v4;
	v5 =	vld [tilespmem:s22+$0x30];
	_ =	sdelay $0x2  }
0x1b8: {  	s26 =	sadd.s32 $0x3, s23  }
0x1b9: {  	v61 =	vmov s26  }
0x1ba: {  	[tilespmem:v4+s17+$0x0] =	vst.idx.msk $0xffff, v5;
	v4 =	vand.u32 $0x7F, v61  }
0x1bb: {  	v5 =	vld [tilespmem:s22+$0x80];
	v6 =	vadd.s32 v0, v4;
	_ =	sdelay $0x4  }
0x1bc: {  	[tilespmem:v6+s17+$0x0] =	vst.idx.msk $0xffff, v5  }
0x1bd: {  	v62 =	vadd.s32 v1, v4;
	v5 =	vld [tilespmem:s22+$0x90];
	_ =	sdelay $0x4  }
0x1be: {  	[tilespmem:v62+s17+$0x0] =	vst.idx.msk $0xffff, v5  }
0x1bf: {  	v63 =	vadd.s32 v2, v4;
	v5 =	vld [tilespmem:s22+$0xA0];
	_ =	sdelay $0x4  }
0x1c0: {  	[tilespmem:v63+s17+$0x0] =	vst.idx.msk $0xffff, v5  }
0x1c1: {  	v4 =	vadd.s32 v3, v4;
	v5 =	vld [tilespmem:s22+$0xB0]  }
0x1c2: {  	s21 =	sadd.s32 s5, s21  }
0x1c3: {  	s24 =	sshll.u32 s21, $0xA;
	s21 =	sshll.u32 s21, $0x7  }
0x1c4: {  	s21 =	sand.u32 $0x3F80, s21;
	s22 =	sand.u32 $0x7FFE0000, s24  }
0x1c5: {  	s21 =	sor.u32 s21, s22  }
0x1c6: {  	s22 =	sadd.s32 s2, s21;
	[tilespmem:v4+s17+$0x0] =	vst.idx.msk $0xffff, v5  }
0x1c7: {  	[hbm4b:s22+s3] =	stream.linear.scatter [tilespmem:s17], [sflag:$0x4], $0x80, $0x38;
	[tilespmem:$0x12800] =	vst v63  }
0x1c8: {  	s26 =	simm.s32 $0x10688;
	s25 =	sadd.s32 $0x10, s22  }
0x1c9: {  	[hbm4b:s25+s3] =	stream.linear.scatter [tilespmem:s26], [sflag:$0x4], $0x80, $0x38;
	[tilespmem:$0x12800] =	vst v63  }
0x1ca: {  	s25 =	sadd.s32 $0x20, s22;
	s26 =	simm.s32 $0x10710  }
0x1cb: {  	[hbm4b:s25+s3] =	stream.linear.scatter [tilespmem:s26], [sflag:$0x4], $0x80, $0x38;
	[tilespmem:$0x12800] =	vst v63  }
0x1cc: {  	s25 =	sadd.s32 $0x30, s22;
	s26 =	simm.s32 $0x10798  }
0x1cd: {  	[hbm4b:s25+s3] =	stream.linear.scatter [tilespmem:s26], [sflag:$0x4], $0x80, $0x38;
	[tilespmem:$0x12800] =	vst v63  }
0x1ce: {  	s25 =	sadd.s32 $0x40, s22;
	s26 =	simm.s32 $0x10820  }
0x1cf: {  	[hbm4b:s25+s3] =	stream.linear.scatter [tilespmem:s26], [sflag:$0x4], $0x80, $0x38;
	[tilespmem:$0x12800] =	vst v63  }
0x1d0: {  	s25 =	sadd.s32 $0x50, s22;
	s26 =	simm.s32 $0x108A8  }
0x1d1: {  	[hbm4b:s25+s3] =	stream.linear.scatter [tilespmem:s26], [sflag:$0x4], $0x80, $0x38;
	[tilespmem:$0x12800] =	vst v63  }
0x1d2: {  	s24 =	sadd.s32 $0x60, s22;
	s25 =	simm.s32 $0x10930  }
0x1d3: {  	[hbm4b:s24+s3] =	stream.linear.scatter [tilespmem:s25], [sflag:$0x4], $0x80, $0x38;
	[tilespmem:$0x12800] =	vst v63  }
0x1d4: {  	s22 =	sadd.s32 $0x70, s22;
	s26 =	simm.s32 $0x109B8  }
0x1d5: {  	[hbm4b:s22+s3] =	stream.linear.scatter [tilespmem:s26], [sflag:$0x4], $0x80, $0x38;
	[tilespmem:$0x12800] =	vst v63  }
0x1d6: {  	s24 =	simm.s32 $0x10A40;
	s22 =	sadd.s32 s21, s7  }
0x1d7: {  	[hbm4b:s22+s3] =	stream.linear.scatter [tilespmem:s24], [sflag:$0x4], $0x80, $0x38;
	[tilespmem:$0x12800] =	vst v63  }
0x1d8: {  	s26 =	simm.s32 $0x10AC8;
	s25 =	sadd.s32 $0x10, s22  }
0x1d9: {  	[hbm4b:s25+s3] =	stream.linear.scatter [tilespmem:s26], [sflag:$0x4], $0x80, $0x38;
	[tilespmem:$0x12800] =	vst v63  }
0x1da: {  	s25 =	sadd.s32 $0x20, s22;
	s26 =	simm.s32 $0x10B50  }
0x1db: {  	[hbm4b:s25+s3] =	stream.linear.scatter [tilespmem:s26], [sflag:$0x4], $0x80, $0x38;
	[tilespmem:$0x12800] =	vst v63  }
0x1dc: {  	s25 =	sadd.s32 $0x30, s22;
	s26 =	simm.s32 $0x10BD8  }
0x1dd: {  	[hbm4b:s25+s3] =	stream.linear.scatter [tilespmem:s26], [sflag:$0x4], $0x80, $0x38;
	[tilespmem:$0x12800] =	vst v63  }
0x1de: {  	s25 =	sadd.s32 $0x40, s22;
	s26 =	simm.s32 $0x10C60  }
0x1df: {  	[hbm4b:s25+s3] =	stream.linear.scatter [tilespmem:s26], [sflag:$0x4], $0x80, $0x38;
	[tilespmem:$0x12800] =	vst v63  }
0x1e0: {  	s25 =	sadd.s32 $0x50, s22;
	s26 =	simm.s32 $0x10CE8  }
0x1e1: {  	[hbm4b:s25+s3] =	stream.linear.scatter [tilespmem:s26], [sflag:$0x4], $0x80, $0x38;
	[tilespmem:$0x12800] =	vst v63  }
0x1e2: {  	s24 =	sadd.s32 $0x60, s22;
	s25 =	simm.s32 $0x10D70  }
0x1e3: {  	[hbm4b:s24+s3] =	stream.linear.scatter [tilespmem:s25], [sflag:$0x4], $0x80, $0x38;
	[tilespmem:$0x12800] =	vst v63  }
0x1e4: {  	s22 =	sadd.s32 $0x70, s22;
	s26 =	simm.s32 $0x10DF8  }
0x1e5: {  	[hbm4b:s22+s3] =	stream.linear.scatter [tilespmem:s26], [sflag:$0x4], $0x80, $0x38;
	[tilespmem:$0x12800] =	vst v63  }
0x1e6: {  	s24 =	simm.s32 $0x10E80;
	s22 =	sadd.s32 s21, s8  }
0x1e7: {  	[hbm4b:s22+s3] =	stream.linear.scatter [tilespmem:s24], [sflag:$0x4], $0x80, $0x38;
	[tilespmem:$0x12800] =	vst v63  }
0x1e8: {  	s26 =	simm.s32 $0x10F08;
	s25 =	sadd.s32 $0x10, s22  }
0x1e9: {  	[hbm4b:s25+s3] =	stream.linear.scatter [tilespmem:s26], [sflag:$0x4], $0x80, $0x38;
	[tilespmem:$0x12800] =	vst v63  }
0x1ea: {  	s25 =	sadd.s32 $0x20, s22;
	s26 =	simm.s32 $0x10F90  }
0x1eb: {  	[hbm4b:s25+s3] =	stream.linear.scatter [tilespmem:s26], [sflag:$0x4], $0x80, $0x38;
	[tilespmem:$0x12800] =	vst v63  }
0x1ec: {  	s25 =	sadd.s32 $0x30, s22;
	s26 =	simm.s32 $0x11018  }
0x1ed: {  	[hbm4b:s25+s3] =	stream.linear.scatter [tilespmem:s26], [sflag:$0x4], $0x80, $0x38;
	[tilespmem:$0x12800] =	vst v63  }
0x1ee: {  	s25 =	sadd.s32 $0x40, s22;
	s26 =	simm.s32 $0x110A0  }
0x1ef: {  	[hbm4b:s25+s3] =	stream.linear.scatter [tilespmem:s26], [sflag:$0x4], $0x80, $0x38;
	[tilespmem:$0x12800] =	vst v63  }
0x1f0: {  	s25 =	sadd.s32 $0x50, s22;
	s26 =	simm.s32 $0x11128  }
0x1f1: {  	[hbm4b:s25+s3] =	stream.linear.scatter [tilespmem:s26], [sflag:$0x4], $0x80, $0x38;
	[tilespmem:$0x12800] =	vst v63  }
0x1f2: {  	s24 =	sadd.s32 $0x60, s22;
	s25 =	simm.s32 $0x111B0  }
0x1f3: {  	[hbm4b:s24+s3] =	stream.linear.scatter [tilespmem:s25], [sflag:$0x4], $0x80, $0x38;
	[tilespmem:$0x12800] =	vst v63  }
0x1f4: {  	s22 =	sadd.s32 $0x70, s22;
	s26 =	simm.s32 $0x11238  }
0x1f5: {  	[hbm4b:s22+s3] =	stream.linear.scatter [tilespmem:s26], [sflag:$0x4], $0x80, $0x38;
	[tilespmem:$0x12800] =	vst v63  }
0x1f6: {  	s24 =	simm.s32 $0x112C0;
	s22 =	sadd.s32 s21, s9  }
0x1f7: {  	[hbm4b:s22+s3] =	stream.linear.scatter [tilespmem:s24], [sflag:$0x4], $0x80, $0x38;
	[tilespmem:$0x12800] =	vst v63  }
0x1f8: {  	s26 =	simm.s32 $0x11348;
	s25 =	sadd.s32 $0x10, s22  }
0x1f9: {  	[hbm4b:s25+s3] =	stream.linear.scatter [tilespmem:s26], [sflag:$0x4], $0x80, $0x38;
	[tilespmem:$0x12800] =	vst v63  }
0x1fa: {  	s25 =	sadd.s32 $0x20, s22;
	s26 =	simm.s32 $0x113D0  }
0x1fb: {  	[hbm4b:s25+s3] =	stream.linear.scatter [tilespmem:s26], [sflag:$0x4], $0x80, $0x38;
	[tilespmem:$0x12800] =	vst v63  }
0x1fc: {  	s25 =	sadd.s32 $0x30, s22;
	s26 =	simm.s32 $0x11458  }
0x1fd: {  	[hbm4b:s25+s3] =	stream.linear.scatter [tilespmem:s26], [sflag:$0x4], $0x80, $0x38;
	[tilespmem:$0x12800] =	vst v63  }
0x1fe: {  	s25 =	sadd.s32 $0x40, s22;
	s26 =	simm.s32 $0x114E0  }
0x1ff: {  	[hbm4b:s25+s3] =	stream.linear.scatter [tilespmem:s26], [sflag:$0x4], $0x80, $0x38;
	[tilespmem:$0x12800] =	vst v63  }
0x200: {  	s25 =	sadd.s32 $0x50, s22;
	s26 =	simm.s32 $0x11568  }
0x201: {  	[hbm4b:s25+s3] =	stream.linear.scatter [tilespmem:s26], [sflag:$0x4], $0x80, $0x38;
	[tilespmem:$0x12800] =	vst v63  }
0x202: {  	s24 =	sadd.s32 $0x60, s22;
	s25 =	simm.s32 $0x115F0  }
0x203: {  	[hbm4b:s24+s3] =	stream.linear.scatter [tilespmem:s25], [sflag:$0x4], $0x80, $0x38;
	[tilespmem:$0x12800] =	vst v63  }
0x204: {  	s22 =	sadd.s32 $0x70, s22;
	s26 =	simm.s32 $0x11678  }
0x205: {  	[hbm4b:s22+s3] =	stream.linear.scatter [tilespmem:s26], [sflag:$0x4], $0x80, $0x38;
	[tilespmem:$0x12800] =	vst v63  }
0x206: {  	s24 =	simm.s32 $0x11700;
	s22 =	sadd.s32 s21, s10  }
0x207: {  	[hbm4b:s22+s3] =	stream.linear.scatter [tilespmem:s24], [sflag:$0x4], $0x80, $0x38;
	[tilespmem:$0x12800] =	vst v63  }
0x208: {  	s26 =	simm.s32 $0x11788;
	s25 =	sadd.s32 $0x10, s22  }
0x209: {  	[hbm4b:s25+s3] =	stream.linear.scatter [tilespmem:s26], [sflag:$0x4], $0x80, $0x38;
	[tilespmem:$0x12800] =	vst v63  }
0x20a: {  	s25 =	sadd.s32 $0x20, s22;
	s26 =	simm.s32 $0x11810  }
0x20b: {  	[hbm4b:s25+s3] =	stream.linear.scatter [tilespmem:s26], [sflag:$0x4], $0x80, $0x38;
	[tilespmem:$0x12800] =	vst v63  }
0x20c: {  	s25 =	sadd.s32 $0x30, s22;
	s26 =	simm.s32 $0x11898  }
0x20d: {  	[hbm4b:s25+s3] =	stream.linear.scatter [tilespmem:s26], [sflag:$0x4], $0x80, $0x38;
	[tilespmem:$0x12800] =	vst v63  }
0x20e: {  	s25 =	sadd.s32 $0x40, s22;
	s26 =	simm.s32 $0x11920  }
0x20f: {  	[hbm4b:s25+s3] =	stream.linear.scatter [tilespmem:s26], [sflag:$0x4], $0x80, $0x38;
	[tilespmem:$0x12800] =	vst v63  }
0x210: {  	s25 =	sadd.s32 $0x50, s22;
	s26 =	simm.s32 $0x119A8  }
0x211: {  	[hbm4b:s25+s3] =	stream.linear.scatter [tilespmem:s26], [sflag:$0x4], $0x80, $0x38;
	[tilespmem:$0x12800] =	vst v63  }
0x212: {  	s24 =	sadd.s32 $0x60, s22;
	s25 =	simm.s32 $0x11A30  }
0x213: {  	[hbm4b:s24+s3] =	stream.linear.scatter [tilespmem:s25], [sflag:$0x4], $0x80, $0x38;
	[tilespmem:$0x12800] =	vst v63  }
0x214: {  	s22 =	sadd.s32 $0x70, s22;
	s26 =	simm.s32 $0x11AB8  }
0x215: {  	[hbm4b:s22+s3] =	stream.linear.scatter [tilespmem:s26], [sflag:$0x4], $0x80, $0x38;
	[tilespmem:$0x12800] =	vst v63  }
0x216: {  	s24 =	simm.s32 $0x11B40;
	s22 =	sadd.s32 s21, s11  }
0x217: {  	[hbm4b:s22+s3] =	stream.linear.scatter [tilespmem:s24], [sflag:$0x4], $0x80, $0x38;
	[tilespmem:$0x12800] =	vst v63  }
0x218: {  	s26 =	simm.s32 $0x11BC8;
	s25 =	sadd.s32 $0x10, s22  }
0x219: {  	[hbm4b:s25+s3] =	stream.linear.scatter [tilespmem:s26], [sflag:$0x4], $0x80, $0x38;
	[tilespmem:$0x12800] =	vst v63  }
0x21a: {  	s25 =	sadd.s32 $0x20, s22;
	s26 =	simm.s32 $0x11C50  }
0x21b: {  	[hbm4b:s25+s3] =	stream.linear.scatter [tilespmem:s26], [sflag:$0x4], $0x80, $0x38;
	[tilespmem:$0x12800] =	vst v63  }
0x21c: {  	s25 =	sadd.s32 $0x30, s22;
	s26 =	simm.s32 $0x11CD8  }
0x21d: {  	[hbm4b:s25+s3] =	stream.linear.scatter [tilespmem:s26], [sflag:$0x4], $0x80, $0x38;
	[tilespmem:$0x12800] =	vst v63  }
0x21e: {  	s25 =	sadd.s32 $0x40, s22;
	s26 =	simm.s32 $0x11D60  }
0x21f: {  	[hbm4b:s25+s3] =	stream.linear.scatter [tilespmem:s26], [sflag:$0x4], $0x80, $0x38;
	[tilespmem:$0x12800] =	vst v63  }
0x220: {  	s25 =	sadd.s32 $0x50, s22;
	s26 =	simm.s32 $0x11DE8  }
0x221: {  	[hbm4b:s25+s3] =	stream.linear.scatter [tilespmem:s26], [sflag:$0x4], $0x80, $0x38;
	[tilespmem:$0x12800] =	vst v63  }
0x222: {  	s24 =	sadd.s32 $0x60, s22;
	s25 =	simm.s32 $0x11E70  }
0x223: {  	[hbm4b:s24+s3] =	stream.linear.scatter [tilespmem:s25], [sflag:$0x4], $0x80, $0x38;
	[tilespmem:$0x12800] =	vst v63  }
0x224: {  	s22 =	sadd.s32 $0x70, s22;
	s26 =	simm.s32 $0x11EF8  }
0x225: {  	[hbm4b:s22+s3] =	stream.linear.scatter [tilespmem:s26], [sflag:$0x4], $0x80, $0x38;
	[tilespmem:$0x12800] =	vst v63  }
0x226: {  	s24 =	simm.s32 $0x11F80;
	s22 =	sadd.s32 s21, s12  }
0x227: {  	[hbm4b:s22+s3] =	stream.linear.scatter [tilespmem:s24], [sflag:$0x4], $0x80, $0x38;
	[tilespmem:$0x12800] =	vst v63  }
0x228: {  	s26 =	simm.s32 $0x12008;
	s25 =	sadd.s32 $0x10, s22  }
0x229: {  	[hbm4b:s25+s3] =	stream.linear.scatter [tilespmem:s26], [sflag:$0x4], $0x80, $0x38;
	[tilespmem:$0x12800] =	vst v63  }
0x22a: {  	s25 =	sadd.s32 $0x20, s22;
	s26 =	simm.s32 $0x12090  }
0x22b: {  	[hbm4b:s25+s3] =	stream.linear.scatter [tilespmem:s26], [sflag:$0x4], $0x80, $0x38;
	[tilespmem:$0x12800] =	vst v63  }
0x22c: {  	s25 =	sadd.s32 $0x30, s22;
	s26 =	simm.s32 $0x12118  }
0x22d: {  	[hbm4b:s25+s3] =	stream.linear.scatter [tilespmem:s26], [sflag:$0x4], $0x80, $0x38;
	[tilespmem:$0x12800] =	vst v63  }
0x22e: {  	s25 =	sadd.s32 $0x40, s22;
	s26 =	simm.s32 $0x121A0  }
0x22f: {  	[hbm4b:s25+s3] =	stream.linear.scatter [tilespmem:s26], [sflag:$0x4], $0x80, $0x38;
	[tilespmem:$0x12800] =	vst v63  }
0x230: {  	s25 =	sadd.s32 $0x50, s22;
	s26 =	simm.s32 $0x12228  }
0x231: {  	[hbm4b:s25+s3] =	stream.linear.scatter [tilespmem:s26], [sflag:$0x4], $0x80, $0x38;
	[tilespmem:$0x12800] =	vst v63  }
0x232: {  	s25 =	sadd.s32 $0x60, s22;
	s26 =	simm.s32 $0x122B0  }
0x233: {  	[hbm4b:s25+s3] =	stream.linear.scatter [tilespmem:s26], [sflag:$0x4], $0x80, $0x38;
	[tilespmem:$0x12800] =	vst v63  }
0x234: {  	s24 =	simm.s32 $0x12338;
	s22 =	sadd.s32 $0x70, s22  }
0x235: {  	[hbm4b:s22+s3] =	stream.linear.scatter [tilespmem:s24], [sflag:$0x4], $0x80, $0x38;
	[tilespmem:$0x12800] =	vst v63  }
0x236: {  	s21 =	sadd.s32 s21, s13  }
0x237: {  	[hbm4b:s21+s3] =	stream.linear.scatter [tilespmem:s28], [sflag:$0x4], $0x80, $0x38;
	[tilespmem:$0x12800] =	vst v63  }
0x238: {  	s25 =	sadd.s32 $0x10, s21  }
0x239: {  	[hbm4b:s25+s3] =	stream.linear.scatter [tilespmem:s29], [sflag:$0x4], $0x80, $0x38;
	[tilespmem:$0x12800] =	vst v63  }
0x23a: {  	s26 =	sadd.s32 $0x20, s21  }
0x23b: {  	[hbm4b:s26+s3] =	stream.linear.scatter [tilespmem:s30], [sflag:$0x4], $0x80, $0x38;
	[tilespmem:$0x12800] =	vst v63  }
0x23c: {  	s23 =	sadd.s32 $0x30, s21  }
0x23d: {  	[hbm4b:s23+s3] =	stream.linear.scatter [tilespmem:s31], [sflag:$0x4], $0x80, $0x38;
	[tilespmem:$0x12800] =	vst v63  }
0x23e: {  	s18 =	sadd.s32 $0x1, s18;
	s24 =	sadd.s32 $0x40, s21  }
0x23f: {  	[hbm4b:s24+s3] =	stream.linear.scatter [tilespmem:s1], [sflag:$0x4], $0x80, $0x38;
	[tilespmem:$0x12800] =	vst v63  }
0x240: {  	p0 =	sne.s32 s18, $0x64;
	s25 =	sadd.s32 $0x50, s21  }
0x241: {  	[hbm4b:s25+s3] =	stream.linear.scatter [tilespmem:s6], [sflag:$0x4], $0x80, $0x38;
	[tilespmem:$0x12800] =	vst v63  }
.Ltmp2:
0x242: {  	_ = 	snop;
	(pc) =	sbr.rel @p0 .LBB2_2-.Ltmp2, $4  }
0x243: {  	s26 =	sadd.s32 $0x60, s21  }
0x244: {  	[hbm4b:s26+s3] =	stream.linear.scatter [tilespmem:s14], [sflag:$0x4], $0x80, $0x38;
	[tilespmem:$0x12800] =	vst v63  }
0x245: {  	s21 =	sadd.s32 $0x70, s21  }
0x246: {  	[hbm4b:s21+s3] =	stream.linear.scatter [tilespmem:s15], [sflag:$0x4], $0x80, $0x38;
	[tilespmem:$0x12800] =	vst v63  }
0x247: {  	s21 =	simm.s32 $0x4  }
0x248: {  	_ =	swait.ge [sflag:s21], $0x400  }
0x249: {  	[sflag:s21] =	ssyncset.done $0x0  }
0x24a: {  	[sflag:s21] =	ssyncadd.s32 $0xFFFFFC00  }
0x24b: {  	_ =	swait.ge [sflag:s21], $0x400  }
0x24c: {  	[sflag:s21] =	ssyncset.done $0x0  }
0x24d: {  	[sflag:s21] =	ssyncadd.s32 $0xFFFFFC00  }
0x24e: {  	_ =	swait.ge [sflag:s21], $0x400  }
0x24f: {  	[sflag:s21] =	ssyncset.done $0x0  }
0x250: {  	[sflag:s21] =	ssyncadd.s32 $0xFFFFFC00  }
0x251: {  	_ =	swait.ge [sflag:s21], $0x400  }
0x252: {  	[sflag:s21] =	ssyncset.done $0x0  }
0x253: {  	[sflag:s21] =	ssyncadd.s32 $0xFFFFFC00  }
0x254: {  	_ =	swait.ge [sflag:s21], $0x400  }
0x255: {  	[sflag:s21] =	ssyncset.done $0x0  }
0x256: {  	[sflag:s21] =	ssyncadd.s32 $0xFFFFFC00  }
0x257: {  	_ =	swait.ge [sflag:s21], $0x400  }
0x258: {  	[sflag:s21] =	ssyncset.done $0x0  }
0x259: {  	[sflag:s21] =	ssyncadd.s32 $0xFFFFFC00  }
0x25a: {  	_ =	swait.ge [sflag:s21], $0x400  }
0x25b: {  	[sflag:s21] =	ssyncset.done $0x0  }
0x25c: {  	[sflag:s21] =	ssyncadd.s32 $0xFFFFFC00  }
0x25d: {  	_ =	swait.ge [sflag:s21], $0x400  }
0x25e: {  	s22 =	rddreg [dreg:$0x5]  }
0x25f: {  	s18 =	rddreg [dreg:$0x4];
	s22 =	sadd.s32 $0x1, s22  }
0x260: {  	p0 =	sne.s32 s22, s18  }
.Ltmp3:
0x261: {  	_ = 	snop;
	(pc) =	sbr.rel @p0 .LBB2_1-.Ltmp3, $3  }
0x262: {  	_ =	sdelay $0x1  }
0x263: {  	[sflag:s21] =	ssyncset.done $0x0  }
0x264: {  	[sflag:s21] =	ssyncadd.s32 $0xFFFFFC00  }
0x265: {  	_ =	sfence.sel $0x180000  }
0x266: {  	[bflag:$0x0] =	sbarrier.arrive $0xFFFF  }
0x267: {  	_ =	strace $0x90000047  }
0x268: {  	s0 =	stileid.u32;
	[bflag:$0x2] =	sbarrier.arrive $0xFFFF  }
0x269: {  	p0 =	sne.s32 s0, $0x0;
	s0 =	rddreg [dreg:$0x2]  }
0x26a: {  	s0 =	sadd.s32 @!p0 $0x100000, s0  }
0x26b: {  	[sflag:s0] =	ssyncadd.tile.s32 @!p0 $0x1;
	_ =	shalt  }
.Lfunc_end2:
_tile_overlayer_lowered:
.L_overlay_start_2:
0x26c: {  	(tag) =	ssettag $0x2  }
0x26d: {  	s0 =	rddreg [dreg:$0x0];
	s2 =	stileid.u32  }
0x26e: {  	s1 =	rddreg [dreg:$0x1];
	p0 =	sne.s32 s2, $0x0  }
0x26f: {  	s3 =	rddreg [dreg:$0x2];
	[bflag:$0x3] =	sbarrier.arrive $0xFFFF;
	s2 =	simm.s32 @!p0 $0x1C05  }
0x270: {  	[timem:s3], [sflag:s2] =	dma.local @!p0 [hbm:s0], s1  }
0x271: {  	s0 =	simm.s32 @!p0 $0x5  }
0x272: {  	_ =	swait.ge @!p0 [sflag:s0], s1  }
0x273: {  	s1 =	ssub.s32 @!p0 $0x0, s1;
	[sflag:s0] =	ssyncset.done @!p0 $0x0  }
0x274: {  	[sflag:s0] =	ssyncadd.s32 @!p0 s1  }
0x275: {  	[bflag:$0x3] =	sbarrier.arrive $0xFFFF  }
0x276: {  	_ =	shalt  }

</sc_bundles>
